<compile_context>
chip_gen: v7x
topology: tpu7x:2x2x1
jax: 0.10.2.dev20260603
libtpu: 0.0.44.dev20260713+nightly
codegen_flags: <defaults>
</compile_context>

<pallas_src>
import functools

import jax
import jax.numpy as jnp
from jax import lax
from jax.experimental import pallas as pl
from jax.experimental.pallas import tpu as pltpu
from jax.experimental.pallas import tpu_sc as plsc

_THRESHOLD = 0.8
_N = 5000
_NP = 5120
_SC_ROWS = 1024
_TC_ROWS = _N - _SC_ROWS
_TC_BLOCK = 568
_NW = 32
_RPW = _SC_ROWS // _NW


def _tc_kernel(bi_ref, bjt_ref, boxes_out_ref, keep_out_ref):
    bi = bi_ref[...]
    x1i, y1i, x2i, y2i = (bi[:, 0:1], bi[:, 1:2], bi[:, 2:3], bi[:, 3:4])
    x1j = bjt_ref[0:1, :]
    y1j = bjt_ref[1:2, :]
    x2j = bjt_ref[2:3, :]
    y2j = bjt_ref[3:4, :]
    area_j = (x2j - x1j) * (y2j - y1j)
    contained = (
        (x1j >= x1i) & (y1j >= y1i) & (x2j <= x2i) & (y2j <= y2i)
    )
    s = jnp.sum(
        jnp.where(contained, jnp.broadcast_to(area_j, contained.shape), 0.0),
        axis=1,
        keepdims=True,
    )
    area_i = (x2i - x1i) * (y2i - y1i)
    s = s - area_i
    keep = jnp.where(s <= _THRESHOLD * (area_i + 1e-9), 1.0, 0.0)
    keep_out_ref[...] = keep
    boxes_out_ref[...] = bi * keep


def _tc_call(boxes, bt):
    grid = _TC_ROWS // _TC_BLOCK
    return pl.pallas_call(
        _tc_kernel,
        grid=(grid,),
        in_specs=[
            pl.BlockSpec((_TC_BLOCK, 4), lambda i: (i, 0)),
            pl.BlockSpec((4, _NP), lambda i: (0, 0)),
        ],
        out_specs=[
            pl.BlockSpec((_TC_BLOCK, 4), lambda i: (i, 0)),
            pl.BlockSpec((_TC_BLOCK, 1), lambda i: (i, 0)),
        ],
        out_shape=[
            jax.ShapeDtypeStruct((_TC_ROWS, 4), boxes.dtype),
            jax.ShapeDtypeStruct((_TC_ROWS, 1), jnp.float32),
        ],
        compiler_params=pltpu.CompilerParams(
            dimension_semantics=("parallel",)
        ),
    )(boxes[:_TC_ROWS], bt)


@functools.partial(
    pl.kernel,
    mesh=plsc.VectorSubcoreMesh(core_axis_name="c", subcore_axis_name="s"),
    out_type=jax.ShapeDtypeStruct((_SC_ROWS,), jnp.float32),
    scratch_types=[
        pltpu.VMEM((5, _NP), jnp.float32),
        pltpu.VMEM((5, _RPW * 16), jnp.float32),
        pltpu.VMEM((_RPW,), jnp.float32),
        pltpu.VMEM((32,), jnp.float32),
    ],
)
def _sc_kernel(jall_h, irep_h, out_h, jv, iv, kv, rbuf):
    wid = lax.axis_index("s") * 2 + lax.axis_index("c")
    pltpu.sync_copy(jall_h, jv)
    pltpu.sync_copy(irep_h.at[:, pl.ds(wid * _RPW * 16, _RPW * 16)], iv)
    lane = lax.iota(jnp.int32, 16)

    def blk_body(b, _):
        def row_body(q, keep_vec):
            r = b * 16 + q
            rs = pl.ds(r * 16, 16)
            x1s = iv[0, rs]
            y1s = iv[1, rs]
            x2s = iv[2, rs]
            y2s = iv[3, rs]
            areas = iv[4, rs]

            def j_body(jj, acc):
                for u in range(8):
                    sl = pl.ds((jj * 8 + u) * 16, 16)
                    m = (
                        (jv[0, sl] >= x1s)
                        & (jv[1, sl] >= y1s)
                        & (jv[2, sl] <= x2s)
                        & (jv[3, sl] <= y2s)
                    )
                    acc = acc + jnp.where(m, jv[4, sl], 0.0)
                return acc

            acc = lax.fori_loop(
                0, _NP // 128, j_body, jnp.zeros((16,), jnp.float32)
            )
            for sh in (8, 4, 2, 1):
                rbuf[pl.ds(0, 16)] = acc
                rbuf[pl.ds(16, 16)] = acc
                acc = acc + rbuf[pl.ds(sh, 16)]
            s = acc - areas
            keep = jnp.where(
                s <= _THRESHOLD * (areas + 1e-9),
                jnp.ones((16,), jnp.float32),
                jnp.zeros((16,), jnp.float32),
            )
            return jnp.where(lane == q, keep, keep_vec)

        keep_vec = lax.fori_loop(
            0, 16, row_body, jnp.zeros((16,), jnp.float32)
        )
        kv[pl.ds(b * 16, 16)] = keep_vec
        return 0

    lax.fori_loop(0, _RPW // 16, blk_body, 0)
    pltpu.sync_copy(kv, out_h.at[pl.ds(wid * _RPW, _RPW)])


def kernel(boxes):
    n = boxes.shape[0]
    bt = jnp.zeros((4, _NP), boxes.dtype).at[:, :n].set(boxes.T)
    area_row = (bt[2] - bt[0]) * (bt[3] - bt[1])
    jall = jnp.concatenate([bt, area_row[None]], axis=0)
    irep = jnp.repeat(jall[:, _TC_ROWS:n], 16, axis=1)
    keep_sc = _sc_kernel(jall, irep)
    boxes_tc, keep_tc = _tc_call(boxes, bt)
    keep = jnp.concatenate([keep_tc[:, 0], keep_sc]) > 0.5
    boxes_out = jnp.concatenate(
        [boxes_tc, boxes[_TC_ROWS:] * keep_sc[:, None]], axis=0
    )
    return boxes_out, keep

# --- scband reference (transcript-rebuilt; emitter-appended) ---
"""Pipeline reference for scband-multi-instance-prior-filter-12086037971491 (READ-ONLY COPY).

The authoritative reference and input builder live on the scoring server;
editing this copy changes nothing except your own understanding.
"""

import jax, jax.numpy as jnp
import numpy as np

THRESHOLD = 0.8
N = 5000

def setup_inputs(seed: int = 0) -> dict:
    key = jax.random.key(seed)
    k1, k2 = jax.random.split(key)
    # realistic boxes: top-left corner in [0, 0.7), width/height in [0.01, 0.31)
    xy = jax.random.uniform(k1, (N, 2), minval=0.0, maxval=0.7)
    wh = jax.random.uniform(k2, (N, 2), minval=0.01, maxval=0.31)
    boxes = jnp.concatenate([xy, xy + wh], axis=1).astype(jnp.float32)
    return {"boxes": boxes}

def reference(boxes):
    # Faithful translation of MultiInstancePriorFilter.forward for a single
    # (image, class) tensor of boxes [N, 4] in (x1, y1, x2, y2) format.
    x1, y1, x2, y2 = boxes[:, 0], boxes[:, 1], boxes[:, 2], boxes[:, 3]
    areas = (x2 - x1) * (y2 - y1)
    # descending sort by area
    sorted_indices = jnp.argsort(-areas)
    sorted_areas = areas[sorted_indices]
    sx1 = x1[sorted_indices]
    sy1 = y1[sorted_indices]
    sx2 = x2[sorted_indices]
    sy2 = y2[sorted_indices]
    # is_contained[i, j] = box j fully inside box i
    is_contained = (
        (sx1[None, :] >= sx1[:, None])
        & (sy1[None, :] >= sy1[:, None])
        & (sx2[None, :] <= sx2[:, None])
        & (sy2[None, :] <= sy2[:, None])
    )
    n = boxes.shape[0]
    is_contained = is_contained & (~jnp.eye(n, dtype=bool))
    sum_of_contained_areas = jnp.sum(
        is_contained.astype(jnp.float32) * sorted_areas[None, :], axis=1
    )
    keep_mask_sorted = sum_of_contained_areas <= THRESHOLD * (sorted_areas + 1e-9)
    # map keep mask back to original box ordering (scatter-overwrite)
    keep_orig = jnp.zeros((n,), dtype=bool).at[sorted_indices].set(keep_mask_sorted)
    # static-shape filtering: zero out filtered boxes instead of dropping rows
    filtered_boxes = boxes * keep_orig[:, None].astype(boxes.dtype)
    return filtered_boxes, keep_orig

if __name__ == "__main__":
    import jax
    _d = setup_inputs()
    print(jax.jit(kernel)(*tuple(_d.values())))

</pallas_src>

<mosaic_0001>
#map = affine_map<(d0, d1) -> (0, 0)>
#map1 = affine_map<(d0, d1) -> (0)>
module attributes {stable_mosaic.version = 14 : i64} {
  func.func @_sc_kernel(%arg0: i32, %arg1: i32, %arg2: memref<5x5120xf32, #tpu.memory_space<hbm>>, %arg3: memref<5x16384xf32, #tpu.memory_space<hbm>>, %arg4: memref<1024xf32, #tpu.memory_space<hbm>>, %arg5: memref<5x5120xf32, #tpu.memory_space<vmem>>, %arg6: memref<5x512xf32, #tpu.memory_space<vmem>>, %arg7: memref<32xf32, #tpu.memory_space<vmem>>, %arg8: memref<32xf32, #tpu.memory_space<vmem>>) attributes {dimension_semantics = [#tpu.dimension_semantics<core_parallel>, #tpu.dimension_semantics<subcore_parallel>], iteration_bounds = array<i64: 2, 16>, scalar_prefetch = 0 : i64, scratch_operands = 4 : i64, tpu.core_type = #tpu.core_type<sc_vector_subcore>, window_params = [{transform_indices = #map}, {transform_indices = #map}, {transform_indices = #map1}]} {
    %mul3A = arith.constant 2 : i32
    %mul3A_0 = arith.muli %arg1, %mul3A : i32
    %add3A = arith.addi %mul3A_0, %arg0 : i32
    "tpu.region"() ({
      %run_scoped3A = tpu.sem_alloc : memref<!tpu.dma_semaphore, #tpu.memory_space<semaphore_mem>>
      tpu.enqueue_dma source(%arg2 : memref<5x5120xf32, #tpu.memory_space<hbm>>) target(%arg5 : memref<5x5120xf32, #tpu.memory_space<vmem>>) target_semaphore(%run_scoped3A : memref<!tpu.dma_semaphore, #tpu.memory_space<semaphore_mem>>)
      tpu.wait_dma2 semaphore(%run_scoped3A : memref<!tpu.dma_semaphore, #tpu.memory_space<semaphore_mem>>) src(%arg2 : memref<5x5120xf32, #tpu.memory_space<hbm>>) dst(%arg5 : memref<5x5120xf32, #tpu.memory_space<vmem>>)
      tpu.yield
    }) : () -> ()
    %mul3A_1 = arith.constant 32 : i32
    %mul3A_2 = arith.muli %add3A, %mul3A_1 : i32
    %mul3A_3 = arith.constant 16 : i32
    %mul3A_4 = arith.muli %mul3A_2, %mul3A_3 : i32
    "tpu.region"() ({
      %run_scoped3A = tpu.sem_alloc : memref<!tpu.dma_semaphore, #tpu.memory_space<semaphore_mem>>
      %dma_start3A = arith.constant 0 : i32
      %dma_start3A_13 = tpu.memref_slice %arg3[%dma_start3A, %mul3A_4] : memref<5x16384xf32, #tpu.memory_space<hbm>> -> memref<5x512xf32, #tpu.memory_space<hbm>>
      %dma_start3A_14 = arith.constant 0 : i32
      %dma_start3A_15 = tpu.memref_slice %arg3[%dma_start3A_14, %mul3A_4] : memref<5x16384xf32, #tpu.memory_space<hbm>> -> memref<5x512xf32, #tpu.memory_space<hbm>>
      tpu.enqueue_dma source(%dma_start3A_15 : memref<5x512xf32, #tpu.memory_space<hbm>>) target(%arg6 : memref<5x512xf32, #tpu.memory_space<vmem>>) target_semaphore(%run_scoped3A : memref<!tpu.dma_semaphore, #tpu.memory_space<semaphore_mem>>)
      %dma_wait3A = arith.constant 0 : i32
      %dma_wait3A_16 = tpu.memref_slice %arg3[%dma_wait3A, %mul3A_4] : memref<5x16384xf32, #tpu.memory_space<hbm>> -> memref<5x512xf32, #tpu.memory_space<hbm>>
      %dma_wait3A_17 = arith.constant 0 : i32
      %dma_wait3A_18 = tpu.memref_slice %arg3[%dma_wait3A_17, %mul3A_4] : memref<5x16384xf32, #tpu.memory_space<hbm>> -> memref<5x512xf32, #tpu.memory_space<hbm>>
      tpu.wait_dma2 semaphore(%run_scoped3A : memref<!tpu.dma_semaphore, #tpu.memory_space<semaphore_mem>>) src(%dma_wait3A_18 : memref<5x512xf32, #tpu.memory_space<hbm>>) dst(%arg6 : memref<5x512xf32, #tpu.memory_space<vmem>>)
      tpu.yield
    }) : () -> ()
    %iota3A = tpu.iota {dimensions = array<i32: 0>} : vector<16xi32>
    %scan3A = arith.constant 0 : i32
    %scan3A_5 = arith.constant 0 : i32
    %scan3A_6 = arith.constant 2 : i32
    %scan3A_7 = arith.addi %scan3A_5, %scan3A_6 : i32
    %scan3A_8 = arith.constant 1 : i32
    %scan3A_9 = scf.for %scan3A_13 = %scan3A_5 to %scan3A_7 step %scan3A_8 iter_args(%scan3A_14 = %scan3A) -> (i32)  : i32 {
      %broadcast_in_dim3A = arith.constant 0.000000e+00 : f32
      %broadcast_in_dim3A_15 = vector.broadcast %broadcast_in_dim3A : f32 to vector<16xf32>
      %scan3A_16 = arith.constant 0 : i32
      %scan3A_17 = arith.constant 16 : i32
      %scan3A_18 = arith.addi %scan3A_16, %scan3A_17 : i32
      %scan3A_19 = arith.constant 1 : i32
      %scan3A_20 = scf.for %scan3A_28 = %scan3A_16 to %scan3A_18 step %scan3A_19 iter_args(%scan3A_29 = %broadcast_in_dim3A_15) -> (vector<16xf32>)  : i32 {
        %mul3A_30 = arith.constant 16 : i32
        %mul3A_31 = arith.muli %scan3A_13, %mul3A_30 : i32
        %add3A_32 = arith.addi %mul3A_31, %scan3A_28 : i32
        %mul3A_33 = arith.constant 16 : i32
        %mul3A_34 = arith.muli %add3A_32, %mul3A_33 : i32
        %get3A = arith.constant 0 : i32
        %get3A_35 = arith.index_cast %get3A : i32 to index
        %get3A_36 = arith.index_cast %mul3A_34 : i32 to index
        %get3A_37 = tpu.vector_load %arg6[%get3A_35, %get3A_36] {strides = array<i32>} : memref<5x512xf32, #tpu.memory_space<vmem>>, vector<1x16xf32>,
        %get3A_38 = vector.shape_cast %get3A_37 : vector<1x16xf32> to vector<16xf32>
        %get3A_39 = arith.constant 1 : i32
        %get3A_40 = arith.index_cast %get3A_39 : i32 to index
        %get3A_41 = arith.index_cast %mul3A_34 : i32 to index
        %get3A_42 = tpu.vector_load %arg6[%get3A_40, %get3A_41] {strides = array<i32>} : memref<5x512xf32, #tpu.memory_space<vmem>>, vector<1x16xf32>,
        %get3A_43 = vector.shape_cast %get3A_42 : vector<1x16xf32> to vector<16xf32>
        %get3A_44 = arith.constant 2 : i32
        %get3A_45 = arith.index_cast %get3A_44 : i32 to index
        %get3A_46 = arith.index_cast %mul3A_34 : i32 to index
        %get3A_47 = tpu.vector_load %arg6[%get3A_45, %get3A_46] {strides = array<i32>} : memref<5x512xf32, #tpu.memory_space<vmem>>, vector<1x16xf32>,
        %get3A_48 = vector.shape_cast %get3A_47 : vector<1x16xf32> to vector<16xf32>
        %get3A_49 = arith.constant 3 : i32
        %get3A_50 = arith.index_cast %get3A_49 : i32 to index
        %get3A_51 = arith.index_cast %mul3A_34 : i32 to index
        %get3A_52 = tpu.vector_load %arg6[%get3A_50, %get3A_51] {strides = array<i32>} : memref<5x512xf32, #tpu.memory_space<vmem>>, vector<1x16xf32>,
        %get3A_53 = vector.shape_cast %get3A_52 : vector<1x16xf32> to vector<16xf32>
        %get3A_54 = arith.constant 4 : i32
        %get3A_55 = arith.index_cast %get3A_54 : i32 to index
        %get3A_56 = arith.index_cast %mul3A_34 : i32 to index
        %get3A_57 = tpu.vector_load %arg6[%get3A_55, %get3A_56] {strides = array<i32>} : memref<5x512xf32, #tpu.memory_space<vmem>>, vector<1x16xf32>,
        %get3A_58 = vector.shape_cast %get3A_57 : vector<1x16xf32> to vector<16xf32>
        %broadcast_in_dim3A_59 = arith.constant 0.000000e+00 : f32
        %broadcast_in_dim3A_60 = vector.broadcast %broadcast_in_dim3A_59 : f32 to vector<16xf32>
        %scan3A_61 = arith.constant 0 : i32
        %scan3A_62 = arith.constant 40 : i32
        %scan3A_63 = arith.addi %scan3A_61, %scan3A_62 : i32
        %scan3A_64 = arith.constant 1 : i32
        %scan3A_65 = scf.for %scan3A_127 = %scan3A_61 to %scan3A_63 step %scan3A_64 iter_args(%scan3A_128 = %broadcast_in_dim3A_60) -> (vector<16xf32>)  : i32 {
          %mul3A_129 = arith.constant 8 : i32
          %mul3A_130 = arith.muli %scan3A_127, %mul3A_129 : i32
          %add3A_131 = arith.constant 0 : i32
          %add3A_132 = arith.addi %mul3A_130, %add3A_131 : i32
          %mul3A_133 = arith.constant 16 : i32
          %mul3A_134 = arith.muli %add3A_132, %mul3A_133 : i32
          %get3A_135 = arith.constant 0 : i32
          %get3A_136 = arith.index_cast %get3A_135 : i32 to index
          %get3A_137 = arith.index_cast %mul3A_134 : i32 to index
          %get3A_138 = tpu.vector_load %arg5[%get3A_136, %get3A_137] {strides = array<i32>} : memref<5x5120xf32, #tpu.memory_space<vmem>>, vector<1x16xf32>,
          %get3A_139 = vector.shape_cast %get3A_138 : vector<1x16xf32> to vector<16xf32>
          %ge3A = arith.cmpf oge, %get3A_139, %get3A_38 : vector<16xf32>
          %get3A_140 = arith.constant 1 : i32
          %get3A_141 = arith.index_cast %get3A_140 : i32 to index
          %get3A_142 = arith.index_cast %mul3A_134 : i32 to index
          %get3A_143 = tpu.vector_load %arg5[%get3A_141, %get3A_142] {strides = array<i32>} : memref<5x5120xf32, #tpu.memory_space<vmem>>, vector<1x16xf32>,
          %get3A_144 = vector.shape_cast %get3A_143 : vector<1x16xf32> to vector<16xf32>
          %ge3A_145 = arith.cmpf oge, %get3A_144, %get3A_43 : vector<16xf32>
          %and3A = arith.andi %ge3A, %ge3A_145 : vector<16xi1>
          %get3A_146 = arith.constant 2 : i32
          %get3A_147 = arith.index_cast %get3A_146 : i32 to index
          %get3A_148 = arith.index_cast %mul3A_134 : i32 to index
          %get3A_149 = tpu.vector_load %arg5[%get3A_147, %get3A_148] {strides = array<i32>} : memref<5x5120xf32, #tpu.memory_space<vmem>>, vector<1x16xf32>,
          %get3A_150 = vector.shape_cast %get3A_149 : vector<1x16xf32> to vector<16xf32>
          %le3A_151 = arith.cmpf ole, %get3A_150, %get3A_48 : vector<16xf32>
          %and3A_152 = arith.andi %and3A, %le3A_151 : vector<16xi1>
          %get3A_153 = arith.constant 3 : i32
          %get3A_154 = arith.index_cast %get3A_153 : i32 to index
          %get3A_155 = arith.index_cast %mul3A_134 : i32 to index
          %get3A_156 = tpu.vector_load %arg5[%get3A_154, %get3A_155] {strides = array<i32>} : memref<5x5120xf32, #tpu.memory_space<vmem>>, vector<1x16xf32>,
          %get3A_157 = vector.shape_cast %get3A_156 : vector<1x16xf32> to vector<16xf32>
          %le3A_158 = arith.cmpf ole, %get3A_157, %get3A_53 : vector<16xf32>
          %and3A_159 = arith.andi %and3A_152, %le3A_158 : vector<16xi1>
          %get3A_160 = arith.constant 4 : i32
          %get3A_161 = arith.index_cast %get3A_160 : i32 to index
          %get3A_162 = arith.index_cast %mul3A_134 : i32 to index
          %get3A_163 = tpu.vector_load %arg5[%get3A_161, %get3A_162] {strides = array<i32>} : memref<5x5120xf32, #tpu.memory_space<vmem>>, vector<1x16xf32>,
          %get3A_164 = vector.shape_cast %get3A_163 : vector<1x16xf32> to vector<16xf32>
          %jit3A = arith.constant 0.000000e+00 : f32
          %broadcast_in_dim3A_165 = vector.broadcast %jit3A : f32 to vector<16xf32>
          %select_n3A_166 = arith.select %and3A_159, %get3A_164, %broadcast_in_dim3A_165 : vector<16xi1>, vector<16xf32>
          %add3A_167 = arith.addf %scan3A_128, %select_n3A_166 : vector<16xf32>
          %mul3A_168 = arith.constant 8 : i32
          %mul3A_169 = arith.muli %scan3A_127, %mul3A_168 : i32
          %add3A_170 = arith.constant 1 : i32
          %add3A_171 = arith.addi %mul3A_169, %add3A_170 : i32
          %mul3A_172 = arith.constant 16 : i32
          %mul3A_173 = arith.muli %add3A_171, %mul3A_172 : i32
          %get3A_174 = arith.constant 0 : i32
          %get3A_175 = arith.index_cast %get3A_174 : i32 to index
          %get3A_176 = arith.index_cast %mul3A_173 : i32 to index
          %get3A_177 = tpu.vector_load %arg5[%get3A_175, %get3A_176] {strides = array<i32>} : memref<5x5120xf32, #tpu.memory_space<vmem>>, vector<1x16xf32>,
          %get3A_178 = vector.shape_cast %get3A_177 : vector<1x16xf32> to vector<16xf32>
          %ge3A_179 = arith.cmpf oge, %get3A_178, %get3A_38 : vector<16xf32>
          %get3A_180 = arith.constant 1 : i32
          %get3A_181 = arith.index_cast %get3A_180 : i32 to index
          %get3A_182 = arith.index_cast %mul3A_173 : i32 to index
          %get3A_183 = tpu.vector_load %arg5[%get3A_181, %get3A_182] {strides = array<i32>} : memref<5x5120xf32, #tpu.memory_space<vmem>>, vector<1x16xf32>,
          %get3A_184 = vector.shape_cast %get3A_183 : vector<1x16xf32> to vector<16xf32>
          %ge3A_185 = arith.cmpf oge, %get3A_184, %get3A_43 : vector<16xf32>
          %and3A_186 = arith.andi %ge3A_179, %ge3A_185 : vector<16xi1>
          %get3A_187 = arith.constant 2 : i32
          %get3A_188 = arith.index_cast %get3A_187 : i32 to index
          %get3A_189 = arith.index_cast %mul3A_173 : i32 to index
          %get3A_190 = tpu.vector_load %arg5[%get3A_188, %get3A_189] {strides = array<i32>} : memref<5x5120xf32, #tpu.memory_space<vmem>>, vector<1x16xf32>,
          %get3A_191 = vector.shape_cast %get3A_190 : vector<1x16xf32> to vector<16xf32>
          %le3A_192 = arith.cmpf ole, %get3A_191, %get3A_48 : vector<16xf32>
          %and3A_193 = arith.andi %and3A_186, %le3A_192 : vector<16xi1>
          %get3A_194 = arith.constant 3 : i32
          %get3A_195 = arith.index_cast %get3A_194 : i32 to index
          %get3A_196 = arith.index_cast %mul3A_173 : i32 to index
          %get3A_197 = tpu.vector_load %arg5[%get3A_195, %get3A_196] {strides = array<i32>} : memref<5x5120xf32, #tpu.memory_space<vmem>>, vector<1x16xf32>,
          %get3A_198 = vector.shape_cast %get3A_197 : vector<1x16xf32> to vector<16xf32>
          %le3A_199 = arith.cmpf ole, %get3A_198, %get3A_53 : vector<16xf32>
          %and3A_200 = arith.andi %and3A_193, %le3A_199 : vector<16xi1>
          %get3A_201 = arith.constant 4 : i32
          %get3A_202 = arith.index_cast %get3A_201 : i32 to index
          %get3A_203 = arith.index_cast %mul3A_173 : i32 to index
          %get3A_204 = tpu.vector_load %arg5[%get3A_202, %get3A_203] {strides = array<i32>} : memref<5x5120xf32, #tpu.memory_space<vmem>>, vector<1x16xf32>,
          %get3A_205 = vector.shape_cast %get3A_204 : vector<1x16xf32> to vector<16xf32>
          %jit3A_206 = arith.constant 0.000000e+00 : f32
          %broadcast_in_dim3A_207 = vector.broadcast %jit3A_206 : f32 to vector<16xf32>
          %select_n3A_208 = arith.select %and3A_200, %get3A_205, %broadcast_in_dim3A_207 : vector<16xi1>, vector<16xf32>
          %add3A_209 = arith.addf %add3A_167, %select_n3A_208 : vector<16xf32>
          %mul3A_210 = arith.constant 8 : i32
          %mul3A_211 = arith.muli %scan3A_127, %mul3A_210 : i32
          %add3A_212 = arith.constant 2 : i32
          %add3A_213 = arith.addi %mul3A_211, %add3A_212 : i32
          %mul3A_214 = arith.constant 16 : i32
          %mul3A_215 = arith.muli %add3A_213, %mul3A_214 : i32
          %get3A_216 = arith.constant 0 : i32
          %get3A_217 = arith.index_cast %get3A_216 : i32 to index
          %get3A_218 = arith.index_cast %mul3A_215 : i32 to index
          %get3A_219 = tpu.vector_load %arg5[%get3A_217, %get3A_218] {strides = array<i32>} : memref<5x5120xf32, #tpu.memory_space<vmem>>, vector<1x16xf32>,
          %get3A_220 = vector.shape_cast %get3A_219 : vector<1x16xf32> to vector<16xf32>
          %ge3A_221 = arith.cmpf oge, %get3A_220, %get3A_38 : vector<16xf32>
          %get3A_222 = arith.constant 1 : i32
          %get3A_223 = arith.index_cast %get3A_222 : i32 to index
          %get3A_224 = arith.index_cast %mul3A_215 : i32 to index
          %get3A_225 = tpu.vector_load %arg5[%get3A_223, %get3A_224] {strides = array<i32>} : memref<5x5120xf32, #tpu.memory_space<vmem>>, vector<1x16xf32>,
          %get3A_226 = vector.shape_cast %get3A_225 : vector<1x16xf32> to vector<16xf32>
          %ge3A_227 = arith.cmpf oge, %get3A_226, %get3A_43 : vector<16xf32>
          %and3A_228 = arith.andi %ge3A_221, %ge3A_227 : vector<16xi1>
          %get3A_229 = arith.constant 2 : i32
          %get3A_230 = arith.index_cast %get3A_229 : i32 to index
          %get3A_231 = arith.index_cast %mul3A_215 : i32 to index
          %get3A_232 = tpu.vector_load %arg5[%get3A_230, %get3A_231] {strides = array<i32>} : memref<5x5120xf32, #tpu.memory_space<vmem>>, vector<1x16xf32>,
          %get3A_233 = vector.shape_cast %get3A_232 : vector<1x16xf32> to vector<16xf32>
          %le3A_234 = arith.cmpf ole, %get3A_233, %get3A_48 : vector<16xf32>
          %and3A_235 = arith.andi %and3A_228, %le3A_234 : vector<16xi1>
          %get3A_236 = arith.constant 3 : i32
          %get3A_237 = arith.index_cast %get3A_236 : i32 to index
          %get3A_238 = arith.index_cast %mul3A_215 : i32 to index
          %get3A_239 = tpu.vector_load %arg5[%get3A_237, %get3A_238] {strides = array<i32>} : memref<5x5120xf32, #tpu.memory_space<vmem>>, vector<1x16xf32>,
          %get3A_240 = vector.shape_cast %get3A_239 : vector<1x16xf32> to vector<16xf32>
          %le3A_241 = arith.cmpf ole, %get3A_240, %get3A_53 : vector<16xf32>
          %and3A_242 = arith.andi %and3A_235, %le3A_241 : vector<16xi1>
          %get3A_243 = arith.constant 4 : i32
          %get3A_244 = arith.index_cast %get3A_243 : i32 to index
          %get3A_245 = arith.index_cast %mul3A_215 : i32 to index
          %get3A_246 = tpu.vector_load %arg5[%get3A_244, %get3A_245] {strides = array<i32>} : memref<5x5120xf32, #tpu.memory_space<vmem>>, vector<1x16xf32>,
          %get3A_247 = vector.shape_cast %get3A_246 : vector<1x16xf32> to vector<16xf32>
          %jit3A_248 = arith.constant 0.000000e+00 : f32
          %broadcast_in_dim3A_249 = vector.broadcast %jit3A_248 : f32 to vector<16xf32>
          %select_n3A_250 = arith.select %and3A_242, %get3A_247, %broadcast_in_dim3A_249 : vector<16xi1>, vector<16xf32>
          %add3A_251 = arith.addf %add3A_209, %select_n3A_250 : vector<16xf32>
          %mul3A_252 = arith.constant 8 : i32
          %mul3A_253 = arith.muli %scan3A_127, %mul3A_252 : i32
          %add3A_254 = arith.constant 3 : i32
          %add3A_255 = arith.addi %mul3A_253, %add3A_254 : i32
          %mul3A_256 = arith.constant 16 : i32
          %mul3A_257 = arith.muli %add3A_255, %mul3A_256 : i32
          %get3A_258 = arith.constant 0 : i32
          %get3A_259 = arith.index_cast %get3A_258 : i32 to index
          %get3A_260 = arith.index_cast %mul3A_257 : i32 to index
          %get3A_261 = tpu.vector_load %arg5[%get3A_259, %get3A_260] {strides = array<i32>} : memref<5x5120xf32, #tpu.memory_space<vmem>>, vector<1x16xf32>,
          %get3A_262 = vector.shape_cast %get3A_261 : vector<1x16xf32> to vector<16xf32>
          %ge3A_263 = arith.cmpf oge, %get3A_262, %get3A_38 : vector<16xf32>
          %get3A_264 = arith.constant 1 : i32
          %get3A_265 = arith.index_cast %get3A_264 : i32 to index
          %get3A_266 = arith.index_cast %mul3A_257 : i32 to index
          %get3A_267 = tpu.vector_load %arg5[%get3A_265, %get3A_266] {strides = array<i32>} : memref<5x5120xf32, #tpu.memory_space<vmem>>, vector<1x16xf32>,
          %get3A_268 = vector.shape_cast %get3A_267 : vector<1x16xf32> to vector<16xf32>
          %ge3A_269 = arith.cmpf oge, %get3A_268, %get3A_43 : vector<16xf32>
          %and3A_270 = arith.andi %ge3A_263, %ge3A_269 : vector<16xi1>
          %get3A_271 = arith.constant 2 : i32
          %get3A_272 = arith.index_cast %get3A_271 : i32 to index
          %get3A_273 = arith.index_cast %mul3A_257 : i32 to index
          %get3A_274 = tpu.vector_load %arg5[%get3A_272, %get3A_273] {strides = array<i32>} : memref<5x5120xf32, #tpu.memory_space<vmem>>, vector<1x16xf32>,
          %get3A_275 = vector.shape_cast %get3A_274 : vector<1x16xf32> to vector<16xf32>
          %le3A_276 = arith.cmpf ole, %get3A_275, %get3A_48 : vector<16xf32>
          %and3A_277 = arith.andi %and3A_270, %le3A_276 : vector<16xi1>
          %get3A_278 = arith.constant 3 : i32
          %get3A_279 = arith.index_cast %get3A_278 : i32 to index
          %get3A_280 = arith.index_cast %mul3A_257 : i32 to index
          %get3A_281 = tpu.vector_load %arg5[%get3A_279, %get3A_280] {strides = array<i32>} : memref<5x5120xf32, #tpu.memory_space<vmem>>, vector<1x16xf32>,
          %get3A_282 = vector.shape_cast %get3A_281 : vector<1x16xf32> to vector<16xf32>
          %le3A_283 = arith.cmpf ole, %get3A_282, %get3A_53 : vector<16xf32>
          %and3A_284 = arith.andi %and3A_277, %le3A_283 : vector<16xi1>
          %get3A_285 = arith.constant 4 : i32
          %get3A_286 = arith.index_cast %get3A_285 : i32 to index
          %get3A_287 = arith.index_cast %mul3A_257 : i32 to index
          %get3A_288 = tpu.vector_load %arg5[%get3A_286, %get3A_287] {strides = array<i32>} : memref<5x5120xf32, #tpu.memory_space<vmem>>, vector<1x16xf32>,
          %get3A_289 = vector.shape_cast %get3A_288 : vector<1x16xf32> to vector<16xf32>
          %jit3A_290 = arith.constant 0.000000e+00 : f32
          %broadcast_in_dim3A_291 = vector.broadcast %jit3A_290 : f32 to vector<16xf32>
          %select_n3A_292 = arith.select %and3A_284, %get3A_289, %broadcast_in_dim3A_291 : vector<16xi1>, vector<16xf32>
          %add3A_293 = arith.addf %add3A_251, %select_n3A_292 : vector<16xf32>
          %mul3A_294 = arith.constant 8 : i32
          %mul3A_295 = arith.muli %scan3A_127, %mul3A_294 : i32
          %add3A_296 = arith.constant 4 : i32
          %add3A_297 = arith.addi %mul3A_295, %add3A_296 : i32
          %mul3A_298 = arith.constant 16 : i32
          %mul3A_299 = arith.muli %add3A_297, %mul3A_298 : i32
          %get3A_300 = arith.constant 0 : i32
          %get3A_301 = arith.index_cast %get3A_300 : i32 to index
          %get3A_302 = arith.index_cast %mul3A_299 : i32 to index
          %get3A_303 = tpu.vector_load %arg5[%get3A_301, %get3A_302] {strides = array<i32>} : memref<5x5120xf32, #tpu.memory_space<vmem>>, vector<1x16xf32>,
          %get3A_304 = vector.shape_cast %get3A_303 : vector<1x16xf32> to vector<16xf32>
          %ge3A_305 = arith.cmpf oge, %get3A_304, %get3A_38 : vector<16xf32>
          %get3A_306 = arith.constant 1 : i32
          %get3A_307 = arith.index_cast %get3A_306 : i32 to index
          %get3A_308 = arith.index_cast %mul3A_299 : i32 to index
          %get3A_309 = tpu.vector_load %arg5[%get3A_307, %get3A_308] {strides = array<i32>} : memref<5x5120xf32, #tpu.memory_space<vmem>>, vector<1x16xf32>,
          %get3A_310 = vector.shape_cast %get3A_309 : vector<1x16xf32> to vector<16xf32>
          %ge3A_311 = arith.cmpf oge, %get3A_310, %get3A_43 : vector<16xf32>
          %and3A_312 = arith.andi %ge3A_305, %ge3A_311 : vector<16xi1>
          %get3A_313 = arith.constant 2 : i32
          %get3A_314 = arith.index_cast %get3A_313 : i32 to index
          %get3A_315 = arith.index_cast %mul3A_299 : i32 to index
          %get3A_316 = tpu.vector_load %arg5[%get3A_314, %get3A_315] {strides = array<i32>} : memref<5x5120xf32, #tpu.memory_space<vmem>>, vector<1x16xf32>,
          %get3A_317 = vector.shape_cast %get3A_316 : vector<1x16xf32> to vector<16xf32>
          %le3A_318 = arith.cmpf ole, %get3A_317, %get3A_48 : vector<16xf32>
          %and3A_319 = arith.andi %and3A_312, %le3A_318 : vector<16xi1>
          %get3A_320 = arith.constant 3 : i32
          %get3A_321 = arith.index_cast %get3A_320 : i32 to index
          %get3A_322 = arith.index_cast %mul3A_299 : i32 to index
          %get3A_323 = tpu.vector_load %arg5[%get3A_321, %get3A_322] {strides = array<i32>} : memref<5x5120xf32, #tpu.memory_space<vmem>>, vector<1x16xf32>,
          %get3A_324 = vector.shape_cast %get3A_323 : vector<1x16xf32> to vector<16xf32>
          %le3A_325 = arith.cmpf ole, %get3A_324, %get3A_53 : vector<16xf32>
          %and3A_326 = arith.andi %and3A_319, %le3A_325 : vector<16xi1>
          %get3A_327 = arith.constant 4 : i32
          %get3A_328 = arith.index_cast %get3A_327 : i32 to index
          %get3A_329 = arith.index_cast %mul3A_299 : i32 to index
          %get3A_330 = tpu.vector_load %arg5[%get3A_328, %get3A_329] {strides = array<i32>} : memref<5x5120xf32, #tpu.memory_space<vmem>>, vector<1x16xf32>,
          %get3A_331 = vector.shape_cast %get3A_330 : vector<1x16xf32> to vector<16xf32>
          %jit3A_332 = arith.constant 0.000000e+00 : f32
          %broadcast_in_dim3A_333 = vector.broadcast %jit3A_332 : f32 to vector<16xf32>
          %select_n3A_334 = arith.select %and3A_326, %get3A_331, %broadcast_in_dim3A_333 : vector<16xi1>, vector<16xf32>
          %add3A_335 = arith.addf %add3A_293, %select_n3A_334 : vector<16xf32>
          %mul3A_336 = arith.constant 8 : i32
          %mul3A_337 = arith.muli %scan3A_127, %mul3A_336 : i32
          %add3A_338 = arith.constant 5 : i32
          %add3A_339 = arith.addi %mul3A_337, %add3A_338 : i32
          %mul3A_340 = arith.constant 16 : i32
          %mul3A_341 = arith.muli %add3A_339, %mul3A_340 : i32
          %get3A_342 = arith.constant 0 : i32
          %get3A_343 = arith.index_cast %get3A_342 : i32 to index
          %get3A_344 = arith.index_cast %mul3A_341 : i32 to index
          %get3A_345 = tpu.vector_load %arg5[%get3A_343, %get3A_344] {strides = array<i32>} : memref<5x5120xf32, #tpu.memory_space<vmem>>, vector<1x16xf32>,
          %get3A_346 = vector.shape_cast %get3A_345 : vector<1x16xf32> to vector<16xf32>
          %ge3A_347 = arith.cmpf oge, %get3A_346, %get3A_38 : vector<16xf32>
          %get3A_348 = arith.constant 1 : i32
          %get3A_349 = arith.index_cast %get3A_348 : i32 to index
          %get3A_350 = arith.index_cast %mul3A_341 : i32 to index
          %get3A_351 = tpu.vector_load %arg5[%get3A_349, %get3A_350] {strides = array<i32>} : memref<5x5120xf32, #tpu.memory_space<vmem>>, vector<1x16xf32>,
          %get3A_352 = vector.shape_cast %get3A_351 : vector<1x16xf32> to vector<16xf32>
          %ge3A_353 = arith.cmpf oge, %get3A_352, %get3A_43 : vector<16xf32>
          %and3A_354 = arith.andi %ge3A_347, %ge3A_353 : vector<16xi1>
          %get3A_355 = arith.constant 2 : i32
          %get3A_356 = arith.index_cast %get3A_355 : i32 to index
          %get3A_357 = arith.index_cast %mul3A_341 : i32 to index
          %get3A_358 = tpu.vector_load %arg5[%get3A_356, %get3A_357] {strides = array<i32>} : memref<5x5120xf32, #tpu.memory_space<vmem>>, vector<1x16xf32>,
          %get3A_359 = vector.shape_cast %get3A_358 : vector<1x16xf32> to vector<16xf32>
          %le3A_360 = arith.cmpf ole, %get3A_359, %get3A_48 : vector<16xf32>
          %and3A_361 = arith.andi %and3A_354, %le3A_360 : vector<16xi1>
          %get3A_362 = arith.constant 3 : i32
          %get3A_363 = arith.index_cast %get3A_362 : i32 to index
          %get3A_364 = arith.index_cast %mul3A_341 : i32 to index
          %get3A_365 = tpu.vector_load %arg5[%get3A_363, %get3A_364] {strides = array<i32>} : memref<5x5120xf32, #tpu.memory_space<vmem>>, vector<1x16xf32>,
          %get3A_366 = vector.shape_cast %get3A_365 : vector<1x16xf32> to vector<16xf32>
          %le3A_367 = arith.cmpf ole, %get3A_366, %get3A_53 : vector<16xf32>
          %and3A_368 = arith.andi %and3A_361, %le3A_367 : vector<16xi1>
          %get3A_369 = arith.constant 4 : i32
          %get3A_370 = arith.index_cast %get3A_369 : i32 to index
          %get3A_371 = arith.index_cast %mul3A_341 : i32 to index
          %get3A_372 = tpu.vector_load %arg5[%get3A_370, %get3A_371] {strides = array<i32>} : memref<5x5120xf32, #tpu.memory_space<vmem>>, vector<1x16xf32>,
          %get3A_373 = vector.shape_cast %get3A_372 : vector<1x16xf32> to vector<16xf32>
          %jit3A_374 = arith.constant 0.000000e+00 : f32
          %broadcast_in_dim3A_375 = vector.broadcast %jit3A_374 : f32 to vector<16xf32>
          %select_n3A_376 = arith.select %and3A_368, %get3A_373, %broadcast_in_dim3A_375 : vector<16xi1>, vector<16xf32>
          %add3A_377 = arith.addf %add3A_335, %select_n3A_376 : vector<16xf32>
          %mul3A_378 = arith.constant 8 : i32
          %mul3A_379 = arith.muli %scan3A_127, %mul3A_378 : i32
          %add3A_380 = arith.constant 6 : i32
          %add3A_381 = arith.addi %mul3A_379, %add3A_380 : i32
          %mul3A_382 = arith.constant 16 : i32
          %mul3A_383 = arith.muli %add3A_381, %mul3A_382 : i32
          %get3A_384 = arith.constant 0 : i32
          %get3A_385 = arith.index_cast %get3A_384 : i32 to index
          %get3A_386 = arith.index_cast %mul3A_383 : i32 to index
          %get3A_387 = tpu.vector_load %arg5[%get3A_385, %get3A_386] {strides = array<i32>} : memref<5x5120xf32, #tpu.memory_space<vmem>>, vector<1x16xf32>,
          %get3A_388 = vector.shape_cast %get3A_387 : vector<1x16xf32> to vector<16xf32>
          %ge3A_389 = arith.cmpf oge, %get3A_388, %get3A_38 : vector<16xf32>
          %get3A_390 = arith.constant 1 : i32
          %get3A_391 = arith.index_cast %get3A_390 : i32 to index
          %get3A_392 = arith.index_cast %mul3A_383 : i32 to index
          %get3A_393 = tpu.vector_load %arg5[%get3A_391, %get3A_392] {strides = array<i32>} : memref<5x5120xf32, #tpu.memory_space<vmem>>, vector<1x16xf32>,
          %get3A_394 = vector.shape_cast %get3A_393 : vector<1x16xf32> to vector<16xf32>
          %ge3A_395 = arith.cmpf oge, %get3A_394, %get3A_43 : vector<16xf32>
          %and3A_396 = arith.andi %ge3A_389, %ge3A_395 : vector<16xi1>
          %get3A_397 = arith.constant 2 : i32
          %get3A_398 = arith.index_cast %get3A_397 : i32 to index
          %get3A_399 = arith.index_cast %mul3A_383 : i32 to index
          %get3A_400 = tpu.vector_load %arg5[%get3A_398, %get3A_399] {strides = array<i32>} : memref<5x5120xf32, #tpu.memory_space<vmem>>, vector<1x16xf32>,
          %get3A_401 = vector.shape_cast %get3A_400 : vector<1x16xf32> to vector<16xf32>
          %le3A_402 = arith.cmpf ole, %get3A_401, %get3A_48 : vector<16xf32>
          %and3A_403 = arith.andi %and3A_396, %le3A_402 : vector<16xi1>
          %get3A_404 = arith.constant 3 : i32
          %get3A_405 = arith.index_cast %get3A_404 : i32 to index
          %get3A_406 = arith.index_cast %mul3A_383 : i32 to index
          %get3A_407 = tpu.vector_load %arg5[%get3A_405, %get3A_406] {strides = array<i32>} : memref<5x5120xf32, #tpu.memory_space<vmem>>, vector<1x16xf32>,
          %get3A_408 = vector.shape_cast %get3A_407 : vector<1x16xf32> to vector<16xf32>
          %le3A_409 = arith.cmpf ole, %get3A_408, %get3A_53 : vector<16xf32>
          %and3A_410 = arith.andi %and3A_403, %le3A_409 : vector<16xi1>
          %get3A_411 = arith.constant 4 : i32
          %get3A_412 = arith.index_cast %get3A_411 : i32 to index
          %get3A_413 = arith.index_cast %mul3A_383 : i32 to index
          %get3A_414 = tpu.vector_load %arg5[%get3A_412, %get3A_413] {strides = array<i32>} : memref<5x5120xf32, #tpu.memory_space<vmem>>, vector<1x16xf32>,
          %get3A_415 = vector.shape_cast %get3A_414 : vector<1x16xf32> to vector<16xf32>
          %jit3A_416 = arith.constant 0.000000e+00 : f32
          %broadcast_in_dim3A_417 = vector.broadcast %jit3A_416 : f32 to vector<16xf32>
          %select_n3A_418 = arith.select %and3A_410, %get3A_415, %broadcast_in_dim3A_417 : vector<16xi1>, vector<16xf32>
          %add3A_419 = arith.addf %add3A_377, %select_n3A_418 : vector<16xf32>
          %mul3A_420 = arith.constant 8 : i32
          %mul3A_421 = arith.muli %scan3A_127, %mul3A_420 : i32
          %add3A_422 = arith.constant 7 : i32
          %add3A_423 = arith.addi %mul3A_421, %add3A_422 : i32
          %mul3A_424 = arith.constant 16 : i32
          %mul3A_425 = arith.muli %add3A_423, %mul3A_424 : i32
          %get3A_426 = arith.constant 0 : i32
          %get3A_427 = arith.index_cast %get3A_426 : i32 to index
          %get3A_428 = arith.index_cast %mul3A_425 : i32 to index
          %get3A_429 = tpu.vector_load %arg5[%get3A_427, %get3A_428] {strides = array<i32>} : memref<5x5120xf32, #tpu.memory_space<vmem>>, vector<1x16xf32>,
          %get3A_430 = vector.shape_cast %get3A_429 : vector<1x16xf32> to vector<16xf32>
          %ge3A_431 = arith.cmpf oge, %get3A_430, %get3A_38 : vector<16xf32>
          %get3A_432 = arith.constant 1 : i32
          %get3A_433 = arith.index_cast %get3A_432 : i32 to index
          %get3A_434 = arith.index_cast %mul3A_425 : i32 to index
          %get3A_435 = tpu.vector_load %arg5[%get3A_433, %get3A_434] {strides = array<i32>} : memref<5x5120xf32, #tpu.memory_space<vmem>>, vector<1x16xf32>,
          %get3A_436 = vector.shape_cast %get3A_435 : vector<1x16xf32> to vector<16xf32>
          %ge3A_437 = arith.cmpf oge, %get3A_436, %get3A_43 : vector<16xf32>
          %and3A_438 = arith.andi %ge3A_431, %ge3A_437 : vector<16xi1>
          %get3A_439 = arith.constant 2 : i32
          %get3A_440 = arith.index_cast %get3A_439 : i32 to index
          %get3A_441 = arith.index_cast %mul3A_425 : i32 to index
          %get3A_442 = tpu.vector_load %arg5[%get3A_440, %get3A_441] {strides = array<i32>} : memref<5x5120xf32, #tpu.memory_space<vmem>>, vector<1x16xf32>,
          %get3A_443 = vector.shape_cast %get3A_442 : vector<1x16xf32> to vector<16xf32>
          %le3A_444 = arith.cmpf ole, %get3A_443, %get3A_48 : vector<16xf32>
          %and3A_445 = arith.andi %and3A_438, %le3A_444 : vector<16xi1>
          %get3A_446 = arith.constant 3 : i32
          %get3A_447 = arith.index_cast %get3A_446 : i32 to index
          %get3A_448 = arith.index_cast %mul3A_425 : i32 to index
          %get3A_449 = tpu.vector_load %arg5[%get3A_447, %get3A_448] {strides = array<i32>} : memref<5x5120xf32, #tpu.memory_space<vmem>>, vector<1x16xf32>,
          %get3A_450 = vector.shape_cast %get3A_449 : vector<1x16xf32> to vector<16xf32>
          %le3A_451 = arith.cmpf ole, %get3A_450, %get3A_53 : vector<16xf32>
          %and3A_452 = arith.andi %and3A_445, %le3A_451 : vector<16xi1>
          %get3A_453 = arith.constant 4 : i32
          %get3A_454 = arith.index_cast %get3A_453 : i32 to index
          %get3A_455 = arith.index_cast %mul3A_425 : i32 to index
          %get3A_456 = tpu.vector_load %arg5[%get3A_454, %get3A_455] {strides = array<i32>} : memref<5x5120xf32, #tpu.memory_space<vmem>>, vector<1x16xf32>,
          %get3A_457 = vector.shape_cast %get3A_456 : vector<1x16xf32> to vector<16xf32>
          %jit3A_458 = arith.constant 0.000000e+00 : f32
          %broadcast_in_dim3A_459 = vector.broadcast %jit3A_458 : f32 to vector<16xf32>
          %select_n3A_460 = arith.select %and3A_452, %get3A_457, %broadcast_in_dim3A_459 : vector<16xi1>, vector<16xf32>
          %add3A_461 = arith.addf %add3A_419, %select_n3A_460 : vector<16xf32>
          scf.yield %add3A_461 : vector<16xf32>
        }
        %scan3A_66 = arith.constant 40 : i32
        %swap3A_67 = arith.constant 0 : index
        %swap3A_68 = tpu.vector_load %arg8[%swap3A_67] {strides = array<i32>} : memref<32xf32, #tpu.memory_space<vmem>>, vector<16xf32>,
        %swap3A_69 = vector.shape_cast %swap3A_68 : vector<16xf32> to vector<16xf32>
        %swap3A_70 = vector.shape_cast %scan3A_65 : vector<16xf32> to vector<16xf32>
        tpu.vector_store %arg8[%swap3A_67], %swap3A_70 {strides = array<i32>} : memref<32xf32, #tpu.memory_space<vmem>>, vector<16xf32>,
        %swap3A_71 = arith.constant 16 : index
        %swap3A_72 = tpu.vector_load %arg8[%swap3A_71] {strides = array<i32>} : memref<32xf32, #tpu.memory_space<vmem>>, vector<16xf32>,
        %swap3A_73 = vector.shape_cast %swap3A_72 : vector<16xf32> to vector<16xf32>
        %swap3A_74 = vector.shape_cast %scan3A_65 : vector<16xf32> to vector<16xf32>
        tpu.vector_store %arg8[%swap3A_71], %swap3A_74 {strides = array<i32>} : memref<32xf32, #tpu.memory_space<vmem>>, vector<16xf32>,
        %get3A_75 = arith.constant 8 : index
        %get3A_76 = tpu.vector_load %arg8[%get3A_75] {strides = array<i32>} : memref<32xf32, #tpu.memory_space<vmem>>, vector<16xf32>,
        %get3A_77 = vector.shape_cast %get3A_76 : vector<16xf32> to vector<16xf32>
        %add3A_78 = arith.addf %scan3A_65, %get3A_77 : vector<16xf32>
        %swap3A_79 = arith.constant 0 : index
        %swap3A_80 = tpu.vector_load %arg8[%swap3A_79] {strides = array<i32>} : memref<32xf32, #tpu.memory_space<vmem>>, vector<16xf32>,
        %swap3A_81 = vector.shape_cast %swap3A_80 : vector<16xf32> to vector<16xf32>
        %swap3A_82 = vector.shape_cast %add3A_78 : vector<16xf32> to vector<16xf32>
        tpu.vector_store %arg8[%swap3A_79], %swap3A_82 {strides = array<i32>} : memref<32xf32, #tpu.memory_space<vmem>>, vector<16xf32>,
        %swap3A_83 = arith.constant 16 : index
        %swap3A_84 = tpu.vector_load %arg8[%swap3A_83] {strides = array<i32>} : memref<32xf32, #tpu.memory_space<vmem>>, vector<16xf32>,
        %swap3A_85 = vector.shape_cast %swap3A_84 : vector<16xf32> to vector<16xf32>
        %swap3A_86 = vector.shape_cast %add3A_78 : vector<16xf32> to vector<16xf32>
        tpu.vector_store %arg8[%swap3A_83], %swap3A_86 {strides = array<i32>} : memref<32xf32, #tpu.memory_space<vmem>>, vector<16xf32>,
        %get3A_87 = arith.constant 4 : index
        %get3A_88 = tpu.vector_load %arg8[%get3A_87] {strides = array<i32>} : memref<32xf32, #tpu.memory_space<vmem>>, vector<16xf32>,
        %get3A_89 = vector.shape_cast %get3A_88 : vector<16xf32> to vector<16xf32>
        %add3A_90 = arith.addf %add3A_78, %get3A_89 : vector<16xf32>
        %swap3A_91 = arith.constant 0 : index
        %swap3A_92 = tpu.vector_load %arg8[%swap3A_91] {strides = array<i32>} : memref<32xf32, #tpu.memory_space<vmem>>, vector<16xf32>,
        %swap3A_93 = vector.shape_cast %swap3A_92 : vector<16xf32> to vector<16xf32>
        %swap3A_94 = vector.shape_cast %add3A_90 : vector<16xf32> to vector<16xf32>
        tpu.vector_store %arg8[%swap3A_91], %swap3A_94 {strides = array<i32>} : memref<32xf32, #tpu.memory_space<vmem>>, vector<16xf32>,
        %swap3A_95 = arith.constant 16 : index
        %swap3A_96 = tpu.vector_load %arg8[%swap3A_95] {strides = array<i32>} : memref<32xf32, #tpu.memory_space<vmem>>, vector<16xf32>,
        %swap3A_97 = vector.shape_cast %swap3A_96 : vector<16xf32> to vector<16xf32>
        %swap3A_98 = vector.shape_cast %add3A_90 : vector<16xf32> to vector<16xf32>
        tpu.vector_store %arg8[%swap3A_95], %swap3A_98 {strides = array<i32>} : memref<32xf32, #tpu.memory_space<vmem>>, vector<16xf32>,
        %get3A_99 = arith.constant 2 : index
        %get3A_100 = tpu.vector_load %arg8[%get3A_99] {strides = array<i32>} : memref<32xf32, #tpu.memory_space<vmem>>, vector<16xf32>,
        %get3A_101 = vector.shape_cast %get3A_100 : vector<16xf32> to vector<16xf32>
        %add3A_102 = arith.addf %add3A_90, %get3A_101 : vector<16xf32>
        %swap3A_103 = arith.constant 0 : index
        %swap3A_104 = tpu.vector_load %arg8[%swap3A_103] {strides = array<i32>} : memref<32xf32, #tpu.memory_space<vmem>>, vector<16xf32>,
        %swap3A_105 = vector.shape_cast %swap3A_104 : vector<16xf32> to vector<16xf32>
        %swap3A_106 = vector.shape_cast %add3A_102 : vector<16xf32> to vector<16xf32>
        tpu.vector_store %arg8[%swap3A_103], %swap3A_106 {strides = array<i32>} : memref<32xf32, #tpu.memory_space<vmem>>, vector<16xf32>,
        %swap3A_107 = arith.constant 16 : index
        %swap3A_108 = tpu.vector_load %arg8[%swap3A_107] {strides = array<i32>} : memref<32xf32, #tpu.memory_space<vmem>>, vector<16xf32>,
        %swap3A_109 = vector.shape_cast %swap3A_108 : vector<16xf32> to vector<16xf32>
        %swap3A_110 = vector.shape_cast %add3A_102 : vector<16xf32> to vector<16xf32>
        tpu.vector_store %arg8[%swap3A_107], %swap3A_110 {strides = array<i32>} : memref<32xf32, #tpu.memory_space<vmem>>, vector<16xf32>,
        %get3A_111 = arith.constant 1 : index
        %get3A_112 = tpu.vector_load %arg8[%get3A_111] {strides = array<i32>} : memref<32xf32, #tpu.memory_space<vmem>>, vector<16xf32>,
        %get3A_113 = vector.shape_cast %get3A_112 : vector<16xf32> to vector<16xf32>
        %add3A_114 = arith.addf %add3A_102, %get3A_113 : vector<16xf32>
        %sub3A = arith.subf %add3A_114, %get3A_58 : vector<16xf32>
        %add3A_115 = arith.constant 9.99999971E-10 : f32
        %add3A_116 = vector.broadcast %add3A_115 : f32 to vector<16xf32>
        %add3A_117 = arith.addf %get3A_58, %add3A_116 : vector<16xf32>
        %mul3A_118 = arith.constant 8.000000e-01 : f32
        %mul3A_119 = vector.broadcast %mul3A_118 : f32 to vector<16xf32>
        %mul3A_120 = arith.mulf %mul3A_119, %add3A_117 : vector<16xf32>
        %le3A = arith.cmpf ole, %sub3A, %mul3A_120 : vector<16xf32>
        %broadcast_in_dim3A_121 = arith.constant 1.000000e+00 : f32
        %broadcast_in_dim3A_122 = vector.broadcast %broadcast_in_dim3A_121 : f32 to vector<16xf32>
        %broadcast_in_dim3A_123 = arith.constant 0.000000e+00 : f32
        %broadcast_in_dim3A_124 = vector.broadcast %broadcast_in_dim3A_123 : f32 to vector<16xf32>
        %select_n3A = arith.select %le3A, %broadcast_in_dim3A_122, %broadcast_in_dim3A_124 : vector<16xi1>, vector<16xf32>
        %eq3A = vector.broadcast %scan3A_28 : i32 to vector<16xi32>
        %eq3A_125 = arith.cmpi eq, %iota3A, %eq3A : vector<16xi32>
        %select_n3A_126 = arith.select %eq3A_125, %select_n3A, %scan3A_29 : vector<16xi1>, vector<16xf32>
        scf.yield %select_n3A_126 : vector<16xf32>
      }
      %scan3A_21 = arith.constant 16 : i32
      %mul3A_22 = arith.constant 16 : i32
      %mul3A_23 = arith.muli %scan3A_13, %mul3A_22 : i32
      %swap3A = arith.index_cast %mul3A_23 : i32 to index
      %swap3A_24 = tpu.vector_load %arg7[%swap3A] {strides = array<i32>} : memref<32xf32, #tpu.memory_space<vmem>>, vector<16xf32>,
      %swap3A_25 = vector.shape_cast %swap3A_24 : vector<16xf32> to vector<16xf32>
      %swap3A_26 = vector.shape_cast %scan3A_20 : vector<16xf32> to vector<16xf32>
      tpu.vector_store %arg7[%swap3A], %swap3A_26 {strides = array<i32>} : memref<32xf32, #tpu.memory_space<vmem>>, vector<16xf32>,
      %scan3A_27 = arith.constant 0 : i32
      scf.yield %scan3A_27 : i32
    }
    %scan3A_10 = arith.constant 2 : i32
    %mul3A_11 = arith.constant 32 : i32
    %mul3A_12 = arith.muli %add3A, %mul3A_11 : i32
    "tpu.region"() ({
      %run_scoped3A = tpu.sem_alloc : memref<!tpu.dma_semaphore, #tpu.memory_space<semaphore_mem>>
      %dma_start3A = tpu.memref_slice %arg4[%mul3A_12] : memref<1024xf32, #tpu.memory_space<hbm>> -> memref<32xf32, #tpu.memory_space<hbm>>
      %dma_start3A_13 = tpu.memref_slice %arg4[%mul3A_12] : memref<1024xf32, #tpu.memory_space<hbm>> -> memref<32xf32, #tpu.memory_space<hbm>>
      tpu.enqueue_dma source(%arg7 : memref<32xf32, #tpu.memory_space<vmem>>) target(%dma_start3A_13 : memref<32xf32, #tpu.memory_space<hbm>>) target_semaphore(%run_scoped3A : memref<!tpu.dma_semaphore, #tpu.memory_space<semaphore_mem>>)
      %dma_wait3A = tpu.memref_slice %arg4[%mul3A_12] : memref<1024xf32, #tpu.memory_space<hbm>> -> memref<32xf32, #tpu.memory_space<hbm>>
      %dma_wait3A_14 = tpu.memref_slice %arg4[%mul3A_12] : memref<1024xf32, #tpu.memory_space<hbm>> -> memref<32xf32, #tpu.memory_space<hbm>>
      tpu.wait_dma2 semaphore(%run_scoped3A : memref<!tpu.dma_semaphore, #tpu.memory_space<semaphore_mem>>) src(%arg7 : memref<32xf32, #tpu.memory_space<vmem>>) dst(%dma_wait3A_14 : memref<32xf32, #tpu.memory_space<hbm>>)
      tpu.yield
    }) : () -> ()
    return
  }
}

module attributes {stable_mosaic.version = 14 : i64} {
  func.func @_tc_kernel(%arg0: i32, %arg1: memref<568x4xf32, #tpu.memory_space<vmem>>, %arg2: memref<4x5120xf32, #tpu.memory_space<vmem>>, %arg3: memref<568x4xf32, #tpu.memory_space<vmem>>, %arg4: memref<568x1xf32, #tpu.memory_space<vmem>>) attributes {dimension_semantics = [#tpu.dimension_semantics<parallel>], iteration_bounds = array<i64: 7>, scalar_prefetch = 0 : i64, scratch_operands = 0 : i64, tpu.core_type = #tpu.core_type<tc>, window_params = [{transform_indices = @transform_0, window_bounds = array<i64: 568, 4>}, {pipeline_mode = #tpu.pipeline_mode<synchronous>, transform_indices = @transform_1, window_bounds = array<i64: 4, 5120>}, {transform_indices = @transform_2, window_bounds = array<i64: 568, 4>}, {transform_indices = @transform_3, window_bounds = array<i64: 568, 1>}]} {
    %get3A = arith.constant 0 : index
    %get3A_0 = arith.constant 0 : index
    %get3A_1 = vector.load %arg1[%get3A, %get3A_0] : memref<568x4xf32, #tpu.memory_space<vmem>>, vector<568x4xf32>
    %slice3A = vector.extract_strided_slice %get3A_1 {offsets = [0, 0], sizes = [568, 1], strides = [1, 1]} : vector<568x4xf32> to vector<568x1xf32>
    %slice3A_2 = vector.extract_strided_slice %get3A_1 {offsets = [0, 1], sizes = [568, 1], strides = [1, 1]} : vector<568x4xf32> to vector<568x1xf32>
    %slice3A_3 = vector.extract_strided_slice %get3A_1 {offsets = [0, 2], sizes = [568, 1], strides = [1, 1]} : vector<568x4xf32> to vector<568x1xf32>
    %slice3A_4 = vector.extract_strided_slice %get3A_1 {offsets = [0, 3], sizes = [568, 1], strides = [1, 1]} : vector<568x4xf32> to vector<568x1xf32>
    %get3A_5 = arith.constant 0 : index
    %get3A_6 = arith.constant 0 : index
    %get3A_7 = vector.load %arg2[%get3A_5, %get3A_6] : memref<4x5120xf32, #tpu.memory_space<vmem>>, vector<1x5120xf32>
    %get3A_8 = arith.constant 1 : index
    %get3A_9 = arith.constant 0 : index
    %get3A_10 = vector.load %arg2[%get3A_8, %get3A_9] : memref<4x5120xf32, #tpu.memory_space<vmem>>, vector<1x5120xf32>
    %get3A_11 = arith.constant 2 : index
    %get3A_12 = arith.constant 0 : index
    %get3A_13 = vector.load %arg2[%get3A_11, %get3A_12] : memref<4x5120xf32, #tpu.memory_space<vmem>>, vector<1x5120xf32>
    %get3A_14 = arith.constant 3 : index
    %get3A_15 = arith.constant 0 : index
    %get3A_16 = vector.load %arg2[%get3A_14, %get3A_15] : memref<4x5120xf32, #tpu.memory_space<vmem>>, vector<1x5120xf32>
    %sub3A = arith.subf %get3A_13, %get3A_7 : vector<1x5120xf32>
    %sub3A_17 = arith.subf %get3A_16, %get3A_10 : vector<1x5120xf32>
    %mul3A = arith.mulf %sub3A, %sub3A_17 : vector<1x5120xf32>
    %ge3A = vector.broadcast %get3A_7 : vector<1x5120xf32> to vector<568x5120xf32>
    %ge3A_18 = vector.broadcast %slice3A : vector<568x1xf32> to vector<568x5120xf32>
    %ge3A_19 = arith.cmpf oge, %ge3A, %ge3A_18 : vector<568x5120xf32>
    %ge3A_20 = vector.broadcast %get3A_10 : vector<1x5120xf32> to vector<568x5120xf32>
    %ge3A_21 = vector.broadcast %slice3A_2 : vector<568x1xf32> to vector<568x5120xf32>
    %ge3A_22 = arith.cmpf oge, %ge3A_20, %ge3A_21 : vector<568x5120xf32>
    %and3A = arith.andi %ge3A_19, %ge3A_22 : vector<568x5120xi1>
    %le3A = vector.broadcast %get3A_13 : vector<1x5120xf32> to vector<568x5120xf32>
    %le3A_23 = vector.broadcast %slice3A_3 : vector<568x1xf32> to vector<568x5120xf32>
    %le3A_24 = arith.cmpf ole, %le3A, %le3A_23 : vector<568x5120xf32>
    %and3A_25 = arith.andi %and3A, %le3A_24 : vector<568x5120xi1>
    %le3A_26 = vector.broadcast %get3A_16 : vector<1x5120xf32> to vector<568x5120xf32>
    %le3A_27 = vector.broadcast %slice3A_4 : vector<568x1xf32> to vector<568x5120xf32>
    %le3A_28 = arith.cmpf ole, %le3A_26, %le3A_27 : vector<568x5120xf32>
    %and3A_29 = arith.andi %and3A_25, %le3A_28 : vector<568x5120xi1>
    %broadcast_in_dim3A = vector.shape_cast %mul3A : vector<1x5120xf32> to vector<1x5120xf32>
    %broadcast_in_dim3A_30 = vector.broadcast %broadcast_in_dim3A : vector<1x5120xf32> to vector<568x5120xf32>
    %jit3A = arith.constant 0.000000e+00 : f32
    %broadcast_in_dim3A_31 = vector.broadcast %jit3A : f32 to vector<568x5120xf32>
    %select_n3A = arith.select %and3A_29, %broadcast_in_dim3A_30, %broadcast_in_dim3A_31 : vector<568x5120xi1>, vector<568x5120xf32>
    %reduce_sum3A = arith.constant dense<0.000000e+00> : vector<568xf32>
    %reduce_sum3A_32 = vector.multi_reduction <add>, %select_n3A, %reduce_sum3A [1] : vector<568x5120xf32> to vector<568xf32>
    %broadcast_in_dim3A_33 = vector.shape_cast %reduce_sum3A_32 : vector<568xf32> to vector<568x1xf32>
    %sub3A_34 = arith.subf %slice3A_3, %slice3A : vector<568x1xf32>
    %sub3A_35 = arith.subf %slice3A_4, %slice3A_2 : vector<568x1xf32>
    %mul3A_36 = arith.mulf %sub3A_34, %sub3A_35 : vector<568x1xf32>
    %sub3A_37 = arith.subf %broadcast_in_dim3A_33, %mul3A_36 : vector<568x1xf32>
    %add3A = arith.constant 9.99999971E-10 : f32
    %add3A_38 = vector.broadcast %add3A : f32 to vector<568x1xf32>
    %add3A_39 = arith.addf %mul3A_36, %add3A_38 : vector<568x1xf32>
    %mul3A_40 = arith.constant 8.000000e-01 : f32
    %mul3A_41 = vector.broadcast %mul3A_40 : f32 to vector<568x1xf32>
    %mul3A_42 = arith.mulf %mul3A_41, %add3A_39 : vector<568x1xf32>
    %le3A_43 = arith.cmpf ole, %sub3A_37, %mul3A_42 : vector<568x1xf32>
    %jit3A_44 = arith.constant 1.000000e+00 : f32
    %jit3A_45 = arith.constant 0.000000e+00 : f32
    %broadcast_in_dim3A_46 = vector.broadcast %jit3A_44 : f32 to vector<568x1xf32>
    %broadcast_in_dim3A_47 = vector.broadcast %jit3A_45 : f32 to vector<568x1xf32>
    %select_n3A_48 = arith.select %le3A_43, %broadcast_in_dim3A_46, %broadcast_in_dim3A_47 : vector<568x1xi1>, vector<568x1xf32>
    %swap3A = arith.constant 0 : index
    %swap3A_49 = arith.constant 0 : index
    %swap3A_50 = vector.load %arg4[%swap3A, %swap3A_49] : memref<568x1xf32, #tpu.memory_space<vmem>>, vector<568x1xf32>
    tpu.vector_store %arg4[%swap3A, %swap3A_49], %select_n3A_48 {strides = array<i32>} : memref<568x1xf32, #tpu.memory_space<vmem>>, vector<568x1xf32>,
    %mul3A_51 = vector.broadcast %select_n3A_48 : vector<568x1xf32> to vector<568x4xf32>
    %mul3A_52 = arith.mulf %get3A_1, %mul3A_51 : vector<568x4xf32>
    %swap3A_53 = arith.constant 0 : index
    %swap3A_54 = arith.constant 0 : index
    %swap3A_55 = vector.load %arg3[%swap3A_53, %swap3A_54] : memref<568x4xf32, #tpu.memory_space<vmem>>, vector<568x4xf32>
    tpu.vector_store %arg3[%swap3A_53, %swap3A_54], %mul3A_52 {strides = array<i32>} : memref<568x4xf32, #tpu.memory_space<vmem>>, vector<568x4xf32>,
    return
  }
  func.func @transform_0(%arg0: i32) -> (i32, i32) {
    %c0_i32 = arith.constant 0 : i32
    %c0_i32_0 = arith.constant 0 : i32
    return %arg0, %c0_i32 : i32, i32
  }
  func.func @transform_1(%arg0: i32) -> (i32, i32) {
    %c0_i32 = arith.constant 0 : i32
    %c0_i32_0 = arith.constant 0 : i32
    %c0_i32_1 = arith.constant 0 : i32
    return %c0_i32, %c0_i32_0 : i32, i32
  }
  func.func @transform_2(%arg0: i32) -> (i32, i32) {
    %c0_i32 = arith.constant 0 : i32
    %c0_i32_0 = arith.constant 0 : i32
    return %arg0, %c0_i32 : i32, i32
  }
  func.func @transform_3(%arg0: i32) -> (i32, i32) {
    %c0_i32 = arith.constant 0 : i32
    %c0_i32_0 = arith.constant 0 : i32
    return %arg0, %c0_i32 : i32, i32
  }
}

</mosaic_0001>

<sc_bundles>
// kernel: kernel.4.cloned.1.call-start
scs
__scs_entry_jumppad:
0x0: {  	(pc) =	sbr.rel $0x88, $3  }
0x1: {  	(tag) =	ssettag $0x0;
	lr =	simm.s32 $0x1  }
0x2: {  	[smem:$0x3FA0] =	sst lr;
	_ =	strace $0xD0000000  }
0x3: {  	_ = 	snop  }
0x4: {  	_ = 	snop  }
0x5: {  	_ = 	snop  }
0x6: {  	_ = 	snop  }
0x7: {  	_ = 	snop  }
__scs_overlays_trampoline_lowered:
0x8: {  	[smem:$0x3FAF] =	sst s0  }
0x9: {  	[smem:$0x3FB0] =	sst s1  }
0xa: {  	[smem:$0x3FB1] =	sst s2  }
0xb: {  	[smem:$0x3FB2] =	sst s3  }
0xc: {  	[smem:$0x3FB3] =	sst s4  }
0xd: {  	[smem:$0x3FB4] =	sst s5  }
0xe: {  	[smem:$0x3FB5] =	sst s6  }
0xf: {  	[smem:$0x3FB6] =	sst s7  }
0x10: {  	[smem:$0x3FB7] =	sst s8  }
0x11: {  	[smem:$0x3FB8] =	sst s9;
	s0 =	simm.s32 @!p0 $0x0  }
0x12: {  	s1 =	sld [smem:$0x3F9E];
	s0 =	simm.s32 @p0 $0x1  }
0x13: {  	[smem:$0x3FB9] =	sst s0;
	s0 =	simm.s32 @!p1 $0x0  }
0x14: {  	s2 =	sld [smem:$0x3F9D];
	s0 =	simm.s32 @p1 $0x1  }
0x15: {  	[smem:$0x3FBA] =	sst s0;
	s0 =	simm.s32 @!p2 $0x0  }
0x16: {  	s3 =	sld [smem:$0x3FDB];
	s0 =	simm.s32 @p2 $0x1  }
0x17: {  	s4 =	simm.s32 $0x1BF5;
	[smem:$0x3FBC] =	sst s0  }
0x18: {  	s0 =	sld [smem:$0x3F9F];
	_ =	swait.ge [sflag:s4], $0x0  }
0x19: {  	s7 =	sld [smem:$0x3FA0]  }
0x1a: {  	s8 =	sadd.s32 $0xFFFFE003, lr  }
0x1b: {  	s9 =	sadd.s32 $0xFFFFFEF7, lr;
	s5 =	simm.s32 $0xFFFFFFFF;
	p2 =	slt.u32 s8, $0xFFFFF086  }
0x1c: {  	p1 =	slt.u32 s9, $0xF7A;
	s5 =	simm.s32 @!p2 $0x0  }
0x1d: {  	s5 =	simm.s32 @p1 $0x1;
	p0 =	seq.s32 s7, s2  }
0x1e: {  	s7 =	smul.u32 @!p0 $0xF7A, s2;
	p2 =	seq.s32 @!p0 s5, $0x0  }
0x1f: {  	s9 =	smul.u32 $0xF7A, s1;
	s8 =	simm.s32 @!p0 $0x1BF5;
	p2 =	por !p2, p0  }
0x20: {  	[sflag:s8] =	ssyncset.s32 @!p0 $0xFFFFF086;
	s6 =	sadd.s32 @!p0 s3, s7;
	s7 =	simm.s32 @!p0 $0x108  }
0x21: {  	s3 =	sadd.s32 s3, s9;
	s6 =	sadd.s32 @!p0 $0x88, s6;
	s7 =	simm.s32 @p2 $0x1082  }
0x22: {  	[simem:s7], [sflag:s8] =	dma.local @!p0 [hbm:s6], $0xF7A  }
0x23: {  	s9 =	sor.u32 $0xD0000000, s2;
	s6 =	simm.s32 $0x108;
	_ =	swait.ge @!p0 [sflag:s8], $0x0  }
0x24: {  	s3 =	sadd.s32 $0x88, s3;
	s6 =	simm.s32 @!p1 $0x1082;
	[sflag:s4] =	ssyncset.s32 $0xFFFFF086  }
0x25: {  	[simem:s6], [sflag:s4] =	dma.local [hbm:s3], $0xF7A  }
0x26: {  	[smem:$0x3FA0] =	sst s1;
	(tag) =	ssettag s2;
	_ =	strace s9  }
0x27: {  	s1 =	sld [smem:$0x3FB0]  }
0x28: {  	s2 =	sld [smem:$0x3FB1]  }
0x29: {  	s4 =	sld [smem:$0x3FB3]  }
0x2a: {  	p0 =	seq.s32 s5, $0x0;
	s5 =	sld [smem:$0x3FB4]  }
0x2b: {  	s6 =	sld [smem:$0x3FB5]  }
0x2c: {  	s7 =	sld [smem:$0x3FB6]  }
0x2d: {  	s3 =	simm.s32 $0x108;
	s8 =	sld [smem:$0x3FB7]  }
0x2e: {  	s3 =	simm.s32 @!p0 $0x1082;
	s9 =	sld [smem:$0x3FB8]  }
0x2f: {  	lr =	sadd.s32 s0, s3;
	s0 =	sld [smem:$0x3FAF]  }
0x30: {  	s3 =	sld [smem:$0x3FB2]  }
0x31: {  	[smem:$0x3FBB] =	sst s10  }
0x32: {  	s10 =	sld [smem:$0x3FB9];
	_ =	sdelay $0x3  }
0x33: {  	p0 =	seq.s32 s10, $0x1;
	s10 =	sld [smem:$0x3FBB];
	_ =	sdelay $0x3  }
0x34: {  	[smem:$0x3FBB] =	sst s10  }
0x35: {  	s10 =	sld [smem:$0x3FBA];
	_ =	sdelay $0x3  }
0x36: {  	p1 =	seq.s32 s10, $0x1;
	s10 =	sld [smem:$0x3FBB];
	_ =	sdelay $0x3  }
0x37: {  	[smem:$0x3FBB] =	sst s10  }
0x38: {  	s10 =	sld [smem:$0x3FBC]  }
0x39: {  	_ = 	snop;
	(pc) =	sbr.ind lr, $3  }
0x3a: {  	_ = 	snop  }
0x3b: {  	_ = 	snop  }
0x3c: {  	p2 =	seq.s32 s10, $0x1;
	s10 =	sld [smem:$0x3FBB]  }
0x3d: {  	_ =	shalt  }
0x3e: {  	_ =	shalt  }
0x3f: {  	_ =	shalt  }
0x40: {  	_ =	shalt  }
0x41: {  	_ =	shalt  }
0x42: {  	_ =	shalt  }
0x43: {  	_ =	shalt  }
0x44: {  	_ =	shalt  }
0x45: {  	_ =	shalt  }
0x46: {  	_ =	shalt  }
0x47: {  	_ =	shalt  }
0x48: {  	_ =	shalt  }
0x49: {  	_ =	shalt  }
0x4a: {  	_ =	shalt  }
0x4b: {  	_ =	shalt  }
0x4c: {  	_ =	shalt  }
0x4d: {  	_ =	shalt  }
0x4e: {  	_ =	shalt  }
0x4f: {  	_ =	shalt  }
0x50: {  	_ =	shalt  }
0x51: {  	_ =	shalt  }
0x52: {  	_ =	shalt  }
0x53: {  	_ =	shalt  }
0x54: {  	_ =	shalt  }
0x55: {  	_ =	shalt  }
0x56: {  	_ =	shalt  }
0x57: {  	_ =	shalt  }
0x58: {  	_ =	shalt  }
0x59: {  	_ =	shalt  }
0x5a: {  	_ =	shalt  }
0x5b: {  	_ =	shalt  }
0x5c: {  	_ =	shalt  }
0x5d: {  	_ =	shalt  }
0x5e: {  	_ =	shalt  }
0x5f: {  	_ =	shalt  }
0x60: {  	_ =	shalt  }
0x61: {  	_ =	shalt  }
0x62: {  	_ =	shalt  }
0x63: {  	_ =	shalt  }
0x64: {  	_ =	shalt  }
0x65: {  	_ =	shalt  }
0x66: {  	_ =	shalt  }
0x67: {  	_ =	shalt  }
0x68: {  	_ =	shalt  }
0x69: {  	_ =	shalt  }
0x6a: {  	_ =	shalt  }
0x6b: {  	_ =	shalt  }
0x6c: {  	_ =	shalt  }
0x6d: {  	_ =	shalt  }
0x6e: {  	_ =	shalt  }
0x6f: {  	_ =	shalt  }
0x70: {  	_ =	shalt  }
0x71: {  	_ =	shalt  }
0x72: {  	_ =	shalt  }
0x73: {  	_ =	shalt  }
0x74: {  	_ =	shalt  }
0x75: {  	_ =	shalt  }
0x76: {  	_ =	shalt  }
0x77: {  	_ =	shalt  }
0x78: {  	_ =	shalt  }
0x79: {  	_ =	shalt  }
0x7a: {  	_ =	shalt  }
0x7b: {  	_ =	shalt  }
0x7c: {  	_ =	shalt  }
0x7d: {  	_ =	shalt  }
0x7e: {  	_ =	shalt  }
0x7f: {  	_ =	shalt  }
0x80: {  	_ =	shalt  }
0x81: {  	_ =	shalt  }
0x82: {  	_ =	shalt  }
0x83: {  	_ =	shalt  }
0x84: {  	_ =	shalt  }
0x85: {  	_ =	shalt  }
0x86: {  	_ =	shalt  }
0x87: {  	_ =	shalt  }
.Lfunc_end0:
.L_simem_size_0:
called_computation_lowered:
.L_overlay_start_0:
0x88: {  	s2 =	sld [smem:$0x3FD9]  }
0x89: {  	s3 =	sld [smem:$0x3FFE];
	_ =	sdelay $0x1  }
0x8a: {  	s1 =	srdreg.scid  }
0x8b: {  	s0 =	sand.u32 $0x1, s1  }
0x8c: {  	s16 =	sshll.u32 s0, $0xA;
	s2 =	sadd.s32 s3, s2  }
0x8d: {  	s2 =	sadd.s32 s2, s16  }
0x8e: {  	[smem:$0x3FC7] =	sst s2  }
0x8f: {  	_ = 	snop  }
0x90: {  	(tm) =	ssettm $0x1  }
0x91: {  	s17 =	sld [smem:$0x3FFB];
	_ =	sdelay $0x3  }
0x92: {  	_ =	strace s17  }
0x93: {  	s2 =	sld [smem:$0x3FFC];
	_ =	sdelay $0x3  }
0x94: {  	_ =	strace s2  }
0x95: {  	s2 =	sld [smem:$0x3FFD];
	_ =	sdelay $0x3  }
0x96: {  	_ =	strace s2  }
0x97: {  	_ =	strace $0x8FFFFFFF  }
0x98: {  	s18 =	sld [smem:$0x3FDB];
	_ =	sdelay $0x1  }
0x99: {  	s19 =	simm.s32 $_scs_section_size  }
0x9a: {  	s4 =	simm.s32 $_size__tile_overlayer_lowered;
	s5 =	simm.s32 $_tile_overlayer_lowered  }
0x9b: {  	s22 =	simm.s32 $0x1BFF;
	s21 =	sshll.u32 s5, $0x1;
	s2 =	sadd.s32 s19, s18  }
0x9c: {  	s6 =	simm.s32 $0x0;
	s20 =	sshll.u32 s4, $0x1;
	s4 =	sadd.s32 s21, s2  }
0x9d: {  	[timem:s6], [sflag:s22] =	dma.local [hbm:s4], s20  }
0x9e: {  	_ =	swait.ge [sflag:s22], s20  }
0x9f: {  	s3 =	ssub.s32 $0x0, s20;
	[sflag:s22] =	ssyncset.done $0x0  }
0xa0: {  	[sflag:s22] =	ssyncadd.s32 s3;
	_ =	sdelay $0x1  }
0xa1: {  	s23 =	simm.s32 $0x1B8B  }
0xa2: {  	_ =	swait.ge [sflag:s23], $0x1  }
0xa3: {  	[sflag:s23] =	ssyncset.done $0x0  }
0xa4: {  	s25 =	simm.s32 $0x1B8E;
	s24 =	sld [smem:$0x3FFE];
	[sflag:s23] =	ssyncadd.s32 $0xFFFFFFFF  }
0xa5: {  	s26 =	simm.s32 $execute0_lowered;
	[smem:$0x3FD2] =	sst s25  }
0xa6: {  	s4 =	sshll.u32 s26, $0x1;
	_ =	strace $0x80000046;
	[dreg:$0x1] =	wrdreg $0xFFFFFFFF  }
0xa7: {  	s28 =	simm.s32 $_size_execute0_lowered;
	s2 =	sadd.s32 s2, s4;
	[dreg:$0x0] =	wrdreg $0x0  }
0xa8: {  	s4 =	sshll.u32 s28, $0x1;
	[dreg:$0x2] =	wrdreg s2  }
0xa9: {  	[dreg:$0x3] =	wrdreg s4  }
0xaa: {  	[dreg:$0x4] =	wrdreg $0xC0  }
0xab: {  	_ =	task [dreg:s6], $0x5FFFF  }
0xac: {  	[dreg:$0x1] =	wrdreg $0xFFFFFFFF  }
0xad: {  	[dreg:$0x0] =	wrdreg $0x60  }
0xae: {  	[dreg:$0x2] =	wrdreg s24  }
0xaf: {  	[dreg:$0x3] =	wrdreg $0x9  }
0xb0: {  	_ =	task.clear_ibuf [dreg:s6], $0x4FFFF;
	_ =	strace $0x90000046  }
0xb1: {  	s29 =	simm.s32 $0x9;
	_ =	strace $0x80000048  }
0xb2: {  	_ =	swait.ge [sflag:s29], $0x1  }
0xb3: {  	[sflag:s29] =	ssyncadd.s32 $0xFFFFFFFF  }
0xb4: {  	_ =	strace $0x90000048  }
0xb5: {  	_ =	sfence  }
0xb6: {  	s30 =	sld [smem:$0x0];
	_ =	sdelay $0x2  }
0xb7: {  	s31 =	sshll.u32 s1, $0xD;
	s1 =	sshrl.u32 s1, $0x2  }
0xb8: {  	s3 =	sand.u32 $0x4000, s31;
	s1 =	sadd.s32 s1, s30  }
0xb9: {  	s0 =	sor.u32 s3, s0;
	s1 =	sshll.u32 s1, $0x11  }
0xba: {  	s0 =	sor.u32 s1, s0  }
0xbb: {  	s0 =	sadd.s32 $0x8F2B, s0  }
0xbc: {  	[sflag:s0] =	ssyncadd.remote.s32 $0x1  }
0xbd: {  	_ =	sfence.sel $0xFFFF  }
0xbe: {  	[dreg:$0x0] =	wrdreg $0xFFFFFFFF;
	(pc) =	sbr.abs _section_cstart, $3  }
0xbf: {  	[dreg:$0x1] =	wrdreg $0xFFFFFFFF  }
0xc0: {  	_ =	task.clear_ibuf [dreg:s6], $0x2FFFF;
	_ =	strace $0x9FFFFFFF  }
0xc1: {  	(tm) =	ssettm $0x7FFFFFFF  }
tec
execute0_lowered:
.L_overlay_start_1:
0x0: {  	(tag) =	ssettag $0x1  }
0x1: {  	s4 =	rddreg [dreg:$0x0]  }
0x2: {  	s0 =	rddreg [dreg:$0x1];
	s2 =	simm.s32 $0x0;
	s3 =	srdreg.scid  }
0x3: {  	s1 =	stileid.u32;
	s9 =	simm.s32 $0xB000;
	s10 =	simm.s32 $0x0  }
0x4: {  	[smem:$0x7FF] =	sst s2;
	s5 =	sand.u32 $0x1, s3;
	s31 =	sshll.u32 s1, $0x1  }
0x5: {  	s3 =	sadd.s32 $0x200, s4;
	_ =	strace $0x80000047;
	s6 =	sor.u32 s5, s31  }
0x6: {  	s5 =	ssub.s32 $0x2, s5;
	s7 =	sshll.u32 s6, $0x9;
	s6 =	sshll.u32 s6, $0x2  }
0x7: {  	s8 =	sshrl.u32 s5, $0x1;
	s7 =	sadd.s32 s7, s4;
	s6 =	sadd.s32 s6, s4  }
0x8: {  	s8 =	ssub.s32 s5, s8;
	s4 =	sadd.s32 $0x1600, s7;
	s5 =	sadd.s32 $0x5600, s6  }
0x9: {  	v0 =	vimm.f32 $0.0e+00;
	v1 =	vlaneseq.u32;
	s6 =	smax.u32 s8, $0x1;
	s7 =	simm.s32 $0x1;
	s8 =	simm.s32 $0xA000  }
.LBB2_1:
0xa: {  	[tilespmem:s2], [sflag:$0x1] =	stream.linear.gather [hbm4b:s3+s2], $0xA000, $0x38;
	[tilespmem:$0xB100] =	vst v63  }
0xb: {  	_ =	swait.ge [sflag:s7], $0xA000  }
0xc: {  	[sflag:s7] =	ssyncset.done $0x0  }
0xd: {  	[sflag:s7] =	ssyncadd.s32 $0xFFFF6000  }
0xe: {  	[tilespmem:s8], [sflag:$0x1] =	stream.linear.gather [hbm4b:s4+s2], $0x1000, $0x38;
	[tilespmem:$0xB100] =	vst v63  }
0xf: {  	_ =	swait.ge [sflag:s7], $0x1000  }
0x10: {  	[sflag:s7] =	ssyncset.done $0x0  }
0x11: {  	p1 =	por $0x1, $0x1;
	s11 =	simm.s32 $0x0;
	[sflag:s7] =	ssyncadd.s32 $0xFFFFF000  }
.LBB2_2:
0x12: {  	s12 =	sshll.u32 s11, $0xB  }
0x13: {  	s12 =	sand.u32 $0x3FFFF800, s12  }
0x14: {  	p0 =	por p1, p1;
	s13 =	simm.s32 $0x0;
	v2 =	vimm.f32 $0.0e+00;
	s12 =	sadd.s32 $0xA000, s12  }
.LBB2_3:
0x15: {  	s14 =	sshll.u32 s13, $0x7  }
0x16: {  	s15 =	sshll.u32 s13, $0x4;
	s14 =	sand.u32 $0x400, s14  }
0x17: {  	s15 =	sand.u32 $0x70, s15;
	s14 =	sadd.s32 s14, s12  }
0x18: {  	s14 =	sadd.s32 s15, s14  }
0x19: {  	v6 =	vld [tilespmem:s14+$0x0]  }
0x1a: {  	v5 =	vld [tilespmem:s14+$0x80]  }
0x1b: {  	v7 =	vld [tilespmem:s14+$0x100]  }
0x1c: {  	v4 =	vld [tilespmem:s14+$0x180]  }
0x1d: {  	v3 =	vld [tilespmem:s14+$0x200];
	s14 =	simm.s32 $0x0  }
0x1e: {  	v12 =	vld [tilespmem:s14+$0x170]  }
0x1f: {  	v29 =	vld [tilespmem:s14+$0x1E0]  }
0x20: {  	v8 =	vld [tilespmem:s14+$0x70]  }
0x21: {  	v9 =	vld [tilespmem:s14+$0x160]  }
0x22: {  	v23 =	vld [tilespmem:s14+$0x1D0]  }
0x23: {  	v10 =	vld [tilespmem:s14+$0x60]  }
0x24: {  	v11 =	vld [tilespmem:s14+$0x150]  }
0x25: {  	v15 =	vld [tilespmem:s14+$0x1C0]  }
0x26: {  	v13 =	vld [tilespmem:s14+$0x50]  }
0x27: {  	v14 =	vld [tilespmem:s14+$0x140]  }
0x28: {  	v19 =	vld [tilespmem:s14+$0x1B0]  }
0x29: {  	v16 =	vld [tilespmem:s14+$0x40]  }
0x2a: {  	v17 =	vld [tilespmem:s14+$0x130]  }
0x2b: {  	v22 =	vld [tilespmem:s14+$0x1A0]  }
0x2c: {  	v20 =	vld [tilespmem:s14+$0x30]  }
0x2d: {  	v21 =	vld [tilespmem:s14+$0x120]  }
0x2e: {  	v18 =	vld [tilespmem:s14+$0x200]  }
0x2f: {  	v26 =	vld [tilespmem:s14+$0x190]  }
0x30: {  	v24 =	vld [tilespmem:s14+$0x20]  }
0x31: {  	v27 =	vld [tilespmem:s14+$0x180]  }
0x32: {  	v25 =	vld [tilespmem:s14+$0x10]  }
0x33: {  	s15 =	simm.s32 $0x1000;
	v28 =	vld [tilespmem:s14+$0x0];
	vm6 =	vle.f32 v29, v4;
	vm7 =	vle.f32 v12, v7;
	v12 =	vimm.f32 $0.0e+00  }
.LBB2_4:
0x34: {  	vm10 =	vle.f32 v9, v7;
	v9 =	vimm.s32 $0x0  }
0x35: {  	v9 =	vsel vm10, $0xFFFFFFFF, v9  }
0x36: {  	vm12 =	vle.f32 v15, v4;
	[tilespmem:$0x1FFE0] =	vst v9;
	v9 =	vimm.s32 $0x0  }
0x37: {  	v9 =	vsel vm12, $0xFFFFFFFF, v9  }
0x38: {  	vm13 =	vle.f32 v11, v7;
	[tilespmem:$0x1FFA0] =	vst v9;
	v9 =	vimm.s32 $0x0  }
0x39: {  	v29 =	vld [tilespmem:s14+$0x80];
	vm11 =	vge.f32 v8, v6;
	v8 =	vimm.s32 $0x0;
	v9 =	vsel vm13, $0xFFFFFFFF, v9  }
0x3a: {  	vm14 =	vge.f32 v10, v6;
	v8 =	vsel vm11, $0xFFFFFFFF, v8;
	[tilespmem:$0x1FFB0] =	vst v9;
	v9 =	vimm.s32 $0x0  }
0x3b: {  	vm0 =	vle.f32 v23, v4;
	[tilespmem:$0x1FFF0] =	vst v8;
	v8 =	vld [tilespmem:s14+$0x100];
	v9 =	vsel vm14, $0xFFFFFFFF, v9  }
0x3c: {  	v23 =	vimm.s32 $0x0;
	vm9 =	vle.f32 v14, v7;
	vm8 =	vge.f32 v13, v6;
	[tilespmem:$0x1FFD0] =	vst v9;
	v9 =	vld [tilespmem:s14+$0x90]  }
0x3d: {  	v10 =	vld [tilespmem:s14+$0x110];
	vm15 =	vle.f32 v21, v7;
	vm2 =	vge.f32 v28, v6;
	vm4 =	vge.f32 v24, v6  }
0x3e: {  	v11 =	vld [tilespmem:s14+$0xA0];
	vm1 =	vle.f32 v27, v4;
	v23 =	vsel vm0, $0xFFFFFFFF, v23;
	vm3 =	vge.f32 v29, v5  }
0x3f: {  	v13 =	vld [tilespmem:s14+$0x210];
	vm0 =	vle.f32 v26, v4;
	vm2 =	vmand vm2, vm3;
	vm12 =	vle.f32 v17, v7  }
0x40: {  	vm13 =	vle.f32 v22, v4;
	vm14 =	vge.f32 v20, v6;
	vm3 =	vle.f32 v8, v7;
	v8 =	vld [tilespmem:s14+$0xB0]  }
0x41: {  	vm2 =	vmand vm2, vm3;
	vm3 =	vge.f32 v25, v6;
	vm5 =	vge.f32 v9, v5  }
0x42: {  	vm1 =	vmand vm2, vm1;
	v9 =	vld [tilespmem:s14+$0x220];
	vm2 =	vmand vm3, vm5;
	vm3 =	vle.f32 v10, v7  }
0x43: {  	v14 =	vnsel vm1, $0x0, v18;
	vm1 =	vmand vm2, vm3;
	vm2 =	vge.f32 v11, v5  }
0x44: {  	v12 =	vadd.f32 v14, v12;
	v11 =	vld [tilespmem:s14+$0x230];
	vm0 =	vmand vm1, vm0;
	vm1 =	vmand vm4, vm2  }
0x45: {  	v15 =	vld [tilespmem:$0x1FFB0];
	v13 =	vnsel vm0, $0x0, v13;
	vm0 =	vmand vm1, vm15;
	vm15 =	vge.f32 v8, v5  }
0x46: {  	v10 =	vld [tilespmem:s14+$0xC0];
	v12 =	vadd.f32 v13, v12;
	vm0 =	vmand vm0, vm13;
	vm1 =	vmand vm14, vm15  }
0x47: {  	vm10 =	vle.f32 v19, v4;
	v14 =	vld [tilespmem:s14+$0xD0];
	v9 =	vnsel vm0, $0x0, v9;
	vm14 =	vmand vm1, vm12  }
0x48: {  	v8 =	vld [tilespmem:s14+$0x240];
	v9 =	vadd.f32 v9, v12;
	vm0 =	vmand vm14, vm10  }
0x49: {  	v13 =	vld [tilespmem:s14+$0xE0];
	v11 =	vnsel vm0, $0x0, v11  }
0x4a: {  	v9 =	vadd.f32 v11, v9;
	v11 =	vld [tilespmem:$0x1FFA0]  }
0x4b: {  	vm15 =	vge.f32 v10, v5;
	v10 =	vld [tilespmem:s14+$0x250]  }
0x4c: {  	vm12 =	vge.f32 v14, v5;
	v14 =	vld [tilespmem:s14+$0x260]  }
0x4d: {  	vm11 =	vge.f32 v16, v6;
	v12 =	vld [tilespmem:s14+$0xF0]  }
0x4e: {  	vm1 =	vmand vm11, vm15;
	vm15 =	vge.f32 v13, v5;
	v13 =	vld [tilespmem:s14+$0x270]  }
0x4f: {  	vm13 =	vnez.u8 v11;
	v11 =	vld [tilespmem:s14+$0x1F0];
	s14 =	sshra.s32 s15, $0x2  }
0x50: {  	v29 =	vld [tilespmem:s14+$0x170]  }
0x51: {  	vm11 =	vmand vm1, vm9;
	v30 =	vld [tilespmem:s14+$0x1E0]  }
0x52: {  	[tilespmem:$0x1FFC0] =	vst v23;
	vm0 =	vmand vm11, vm13;
	v23 =	vld [tilespmem:s14+$0x1D0]  }
0x53: {  	vm14 =	vnez.u8 v15;
	v15 =	vld [tilespmem:s14+$0x1C0];
	v8 =	vnsel vm0, $0x0, v8  }
0x54: {  	v9 =	vadd.f32 v8, v9;
	v8 =	vld [tilespmem:$0x1FFC0]  }
0x55: {  	v19 =	vld [tilespmem:s14+$0x1B0]  }
0x56: {  	v16 =	vld [tilespmem:s14+$0x40]  }
0x57: {  	v17 =	vld [tilespmem:s14+$0x130]  }
0x58: {  	v22 =	vld [tilespmem:s14+$0x1A0]  }
0x59: {  	vm9 =	vnez.u8 v8;
	v8 =	vld [tilespmem:$0x1FFD0]  }
0x5a: {  	v20 =	vld [tilespmem:s14+$0x30]  }
0x5b: {  	vm1 =	vmand vm8, vm12;
	v21 =	vld [tilespmem:s14+$0x120]  }
0x5c: {  	v18 =	vld [tilespmem:s14+$0x200];
	vm0 =	vmand vm1, vm14  }
0x5d: {  	v26 =	vld [tilespmem:s14+$0x190];
	vm0 =	vmand vm0, vm9  }
0x5e: {  	v10 =	vnsel vm0, $0x0, v10;
	vm10 =	vnez.u8 v8;
	v8 =	vld [tilespmem:$0x1FFE0]  }
0x5f: {  	v10 =	vadd.f32 v10, v9;
	v9 =	vld [tilespmem:$0x1FFF0]  }
0x60: {  	v24 =	vld [tilespmem:s14+$0x20]  }
0x61: {  	v27 =	vld [tilespmem:s14+$0x180]  }
0x62: {  	v25 =	vld [tilespmem:s14+$0x10]  }
0x63: {  	vm12 =	vge.f32 v12, v5;
	v28 =	vld [tilespmem:s14+$0x0];
	vm1 =	vmand vm10, vm15;
	vm11 =	vnez.u8 v8  }
0x64: {  	p1 =	sne.s32 s15, $0x27000;
	vm15 =	vle.f32 v11, v4;
	v11 =	vld [tilespmem:s14+$0x150];
	vm13 =	vnez.u8 v9;
	vm0 =	vmand vm1, vm11  }
.Ltmp0:
0x65: {  	v9 =	vld [tilespmem:s14+$0x160];
	vm1 =	vmand vm13, vm12;
	vm0 =	vmand vm0, vm6;
	(pc) =	sbr.rel @p1 .LBB2_4-.Ltmp0, $4  }
0x66: {  	v8 =	vld [tilespmem:s14+$0x70];
	vm14 =	vmand vm1, vm7;
	v12 =	vnsel vm0, $0x0, v14  }
0x67: {  	vm0 =	vmand vm14, vm15;
	v14 =	vld [tilespmem:s14+$0x140];
	v12 =	vadd.f32 v12, v10  }
0x68: {  	v10 =	vld [tilespmem:s14+$0x60];
	v13 =	vnsel vm0, $0x0, v13  }
0x69: {  	s15 =	sadd.s32 $0x1000, s15;
	vm6 =	vle.f32 v30, v4;
	vm7 =	vle.f32 v29, v7;
	v12 =	vadd.f32 v13, v12;
	v13 =	vld [tilespmem:s14+$0x50]  }
0x6a: {  	v29 =	vld [tilespmem:s14+$0x80]  }
0x6b: {  	v30 =	vld [tilespmem:s14+$0x100]  }
0x6c: {  	v31 =	vld [tilespmem:s14+$0x90]  }
0x6d: {  	v32 =	vld [tilespmem:s14+$0x110]  }
0x6e: {  	v34 =	vld [tilespmem:s14+$0xA0];
	_ =	sdelay $0x1  }
0x6f: {  	vm0 =	vle.f32 v23, v4;
	vm1 =	vge.f32 v28, v6;
	vm11 =	vle.f32 v27, v4;
	v36 =	vld [tilespmem:s14+$0xB0]  }
0x70: {  	vm12 =	vge.f32 v25, v6;
	vm15 =	vle.f32 v26, v4;
	vm8 =	vge.f32 v24, v6  }
0x71: {  	vm10 =	vle.f32 v22, v4;
	vm2 =	vge.f32 v29, v5;
	vm3 =	vle.f32 v30, v7  }
0x72: {  	v35 =	vld [tilespmem:s14+$0x210];
	vm4 =	vge.f32 v31, v5;
	vm14 =	vle.f32 v32, v7;
	vm9 =	vge.f32 v34, v5  }
0x73: {  	v38 =	vld [tilespmem:s14+$0xC0];
	vm1 =	vmand vm1, vm2;
	vm13 =	vmand vm12, vm4;
	vm12 =	vge.f32 v20, v6  }
0x74: {  	v41 =	vld [tilespmem:s14+$0xD0];
	vm1 =	vmand vm1, vm3;
	vm2 =	vmand vm13, vm14;
	vm13 =	vge.f32 v36, v5  }
0x75: {  	vm14 =	vle.f32 v19, v4;
	vm1 =	vmand vm1, vm11;
	vm2 =	vmand vm2, vm15  }
0x76: {  	vm11 =	vle.f32 v21, v7;
	vm15 =	vle.f32 v17, v7;
	v18 =	vnsel vm1, $0x0, v18  }
0x77: {  	v37 =	vld [tilespmem:s14+$0x220];
	vm1 =	vmand vm8, vm9;
	v40 =	vnsel vm2, $0x0, v35;
	vm2 =	vmand vm12, vm13  }
0x78: {  	v39 =	vld [tilespmem:s14+$0x230];
	vm8 =	vge.f32 v16, v6;
	vm9 =	vge.f32 v38, v5;
	vm12 =	vge.f32 v13, v6  }
0x79: {  	v42 =	vld [tilespmem:s14+$0xE0];
	vm13 =	vge.f32 v41, v5;
	vm1 =	vmand vm1, vm11;
	v12 =	vadd.f32 v18, v12  }
0x7a: {  	v46 =	vld [tilespmem:s14+$0xF0];
	vm2 =	vmand vm2, vm15;
	vm11 =	vle.f32 v14, v7;
	vm15 =	vge.f32 v10, v6  }
0x7b: {  	v44 =	vld [tilespmem:s14+$0x240];
	vm1 =	vmand vm1, vm10;
	vm2 =	vmand vm2, vm14;
	v12 =	vadd.f32 v40, v12  }
0x7c: {  	vm10 =	vle.f32 v15, v4;
	vm14 =	vle.f32 v11, v7;
	v43 =	vnsel vm1, $0x0, v37  }
0x7d: {  	v45 =	vld [tilespmem:s14+$0x250];
	vm1 =	vmand vm8, vm9;
	v18 =	vnsel vm2, $0x0, v39;
	v12 =	vadd.f32 v43, v12  }
0x7e: {  	v47 =	vld [tilespmem:s14+$0x260];
	vm2 =	vmand vm12, vm13;
	vm8 =	vge.f32 v42, v5;
	vm1 =	vmand vm1, vm11  }
0x7f: {  	v49 =	vld [tilespmem:s14+$0x1F0];
	vm12 =	vge.f32 v46, v5;
	vm1 =	vmand vm1, vm10;
	v48 =	vadd.f32 v18, v12  }
0x80: {  	vm2 =	vmand vm2, vm14;
	vm9 =	vmand vm15, vm8;
	v14 =	vnsel vm1, $0x0, v44  }
0x81: {  	v50 =	vld [tilespmem:s14+$0x270];
	vm0 =	vmand vm2, vm0;
	vm10 =	vle.f32 v9, v7;
	v51 =	vadd.f32 v14, v48  }
0x82: {  	vm11 =	vge.f32 v8, v6;
	v52 =	vnsel vm0, $0x0, v45;
	vm1 =	vmand vm9, vm10  }
0x83: {  	vm0 =	vmand vm11, vm12;
	vm1 =	vmand vm1, vm6;
	v53 =	vadd.f32 v52, v51  }
0x84: {  	vm13 =	vle.f32 v49, v4;
	vm0 =	vmand vm0, vm7;
	v54 =	vnsel vm1, $0x0, v47  }
0x85: {  	vm0 =	vmand vm0, vm13;
	v55 =	vadd.f32 v54, v53  }
0x86: {  	v56 =	vnsel vm0, $0x0, v50  }
0x87: {  	v4 =	vadd.f32 v56, v55;
	_ =	sdelay $0x1  }
0x88: {  	[tilespmem:$0xB080] =	vst v4  }
0x89: {  	[tilespmem:$0xB090] =	vst v4  }
0x8a: {  	v57 =	vld [tilespmem:$0xB088];
	_ =	sdelay $0x4  }
0x8b: {  	v4 =	vadd.f32 v57, v4;
	_ =	sdelay $0x1  }
0x8c: {  	[tilespmem:$0xB080] =	vst v4  }
0x8d: {  	[tilespmem:$0xB090] =	vst v4  }
0x8e: {  	v58 =	vld [tilespmem:$0xB084];
	_ =	sdelay $0x4  }
0x8f: {  	v4 =	vadd.f32 v58, v4;
	_ =	sdelay $0x1  }
0x90: {  	[tilespmem:$0xB080] =	vst v4  }
0x91: {  	[tilespmem:$0xB090] =	vst v4  }
0x92: {  	v59 =	vld [tilespmem:$0xB082];
	_ =	sdelay $0x4  }
0x93: {  	v4 =	vadd.f32 v59, v4;
	_ =	sdelay $0x1  }
0x94: {  	[tilespmem:$0xB080] =	vst v4  }
0x95: {  	[tilespmem:$0xB090] =	vst v4  }
0x96: {  	v60 =	vld [tilespmem:$0xB081];
	_ =	sdelay $0x4  }
0x97: {  	v61 =	vadd.f32 $9.999999710e-10, v3;
	v63 =	vmov s13;
	s13 =	sadd.s32 $0x1, s13;
	v4 =	vadd.f32 v60, v4  }
0x98: {  	p1 =	sne.s32 s13, $0x10  }
.Ltmp1:
0x99: {  	v62 =	vmul.f32 $8.000000110e-01, v61;
	v3 =	vsub.f32 v4, v3;
	(pc) =	sbr.rel @p1 .LBB2_3-.Ltmp1, $4  }
0x9a: {  	_ = 	snop  }
0x9b: {  	vm14 =	vle.f32 v3, v62  }
0x9c: {  	vm15 =	veq.s32 v63, v1;
	v3 =	vsel vm14, $0x3F800000, v0  }
0x9d: {  	v2 =	vsel vm15, v3, v2  }
.Ltmp2:
0x9e: {  	(pc) =	sbr.rel @p0 .LBB2_2-.Ltmp2, $4  }
0x9f: {  	_ = 	snop  }
0xa0: {  	s11 =	sshll.u32 s11, $0x4  }
0xa1: {  	s11 =	sand.u32 $0x3FFFFFF0, s11  }
0xa2: {  	p1 =	por $0x0, $0x0;
	[tilespmem:s11+$0xB000] =	vst v2;
	s11 =	simm.s32 $0x1  }
0xa3: {  	s10 =	sadd.s32 $0x1, s10  }
0xa4: {  	p0 =	sne.s32 s10, s6  }
.Ltmp3:
0xa5: {  	_ = 	snop;
	(pc) =	sbr.rel @p0 .LBB2_1-.Ltmp3, $4  }
0xa6: {  	[hbm4b:s5+s2] =	stream.linear.scatter [tilespmem:s9], [sflag:$0x1], $0x20, $0x38;
	[tilespmem:$0xB100] =	vst v63  }
0xa7: {  	_ =	swait.ge [sflag:s7], $0x20  }
0xa8: {  	[sflag:s7] =	ssyncset.done $0x0  }
0xa9: {  	[sflag:s7] =	ssyncadd.s32 $0xFFFFFFE0  }
0xaa: {  	_ =	sfence.sel $0x180000  }
0xab: {  	[bflag:$0x0] =	sbarrier.arrive $0xFFFF  }
0xac: {  	p0 =	sne.s32 s1, $0x0;
	_ =	strace $0x90000047  }
0xad: {  	s0 =	sadd.s32 @!p0 $0x100000, s0;
	[bflag:$0x2] =	sbarrier.arrive $0xFFFF  }
0xae: {  	[sflag:s0] =	ssyncadd.tile.s32 @!p0 $0x1;
	_ =	shalt  }
.Lfunc_end2:
_tile_overlayer_lowered:
.L_overlay_start_2:
0xaf: {  	(tag) =	ssettag $0x2  }
0xb0: {  	s0 =	rddreg [dreg:$0x0];
	s2 =	stileid.u32  }
0xb1: {  	s1 =	rddreg [dreg:$0x1];
	p0 =	sne.s32 s2, $0x0  }
0xb2: {  	s3 =	rddreg [dreg:$0x2];
	[bflag:$0x3] =	sbarrier.arrive $0xFFFF;
	s2 =	simm.s32 @!p0 $0x1C01  }
0xb3: {  	[timem:s3], [sflag:s2] =	dma.local @!p0 [hbm:s0], s1  }
0xb4: {  	s0 =	simm.s32 @!p0 $0x1  }
0xb5: {  	_ =	swait.ge @!p0 [sflag:s0], s1  }
0xb6: {  	s1 =	ssub.s32 @!p0 $0x0, s1;
	[sflag:s0] =	ssyncset.done @!p0 $0x0  }
0xb7: {  	[sflag:s0] =	ssyncadd.s32 @!p0 s1  }
0xb8: {  	[bflag:$0x3] =	sbarrier.arrive $0xFFFF  }
0xb9: {  	_ =	shalt  }

</sc_bundles>
